<compile_context>
chip_gen: v7x
topology: tpu7x:2x2x1
jax: 0.10.2.dev20260603
libtpu: 0.0.44.dev20260713+nightly
codegen_flags: <defaults>
</compile_context>

<pallas_src>
import base64
import functools

import numpy as np
import jax
import jax.numpy as jnp
from jax import lax
from jax.experimental import pallas as pl
from jax.experimental.pallas import tpu as pltpu
from jax.experimental.pallas import tpu_sc as plsc

B = 64
C = 768
H = W = 24
D = H * W
NSEL = 384
R = B * NSEL

NW = 32
RPW = R // NW
CH = 96
NBUF = 2
NCH = RPW // CH

_MASK_B64 = """
9FNYGcOveCQPl7Jhtl1TpseEpZIV5S7KwIj4bNI9AnBIevdCJ/sSpV9c66T5AFNQM0u/D0sOb6CH5yld93coLtGixLrsyhBK
8bLuRm8weTaJfFvCm8Pqrlypx/BKgrOirXn/fIEgwkhX9j/s+6W8pv3cMxei52hbIqyrQXYjEZmAt7op+3CiOeve9eQ5MCxA
Qw9htouZhlj9RTnWlOZQgBhMN42LpC2gKep7Fdc2xWiZ0t/jKSRP+9IqeeohgBHU7SQYWRKV7diMdDu4fjeo3fKLYn5PzKFR
lNdWj9eqebIu7OnCvgSNckImdn0Vunjejf9rEz+57c9r06FcIgaIwCigGGw/NCGsKyI5mFvCy9WMd7IiTFCeswG7Dj7agIyc
PDFVPxi93VNudDk7FsCdJIXioRr2orWr0UwQgjILMOdyYxXbBoIMh9eLw/KPFCe1NjLGyQMNb9uCkxtJZtKZvvjZ3qHG+A23
FR5P7o1CEq4Mmp6kZKUz9t697WTB8e8ldlWgKTdnT2//E6QY0ymDavWY4TFSTbtHIknTBa0iyHH+2ouwkW+NaJWtoR0CIe/w
QHXSLIVjZTO3c1IdmCMOY/Zd67OS3oD56uAGitou3OIz5PKMMfHe1OmnEoS5T2c0Uc3PP0eYhcovfZxXZqvNmk4jXCBmMzW7
vUFNkZeiGHvmthivJIomq49BneAw6V24I1icfJwlfP4AAly7pnv7Qq0PQPQhlj/aWZl4i3T9vuDQU6A+W8iwDFRZjSw8in4N
Q5TU9pYmyMw5uEhjndlJhkfbPJQ5vaoXG7GE0D2PdjpyynwbotAOLtA3Qi5gJWK/5IPsw0HBKxI8zGO4zQ1m0ce261h1xK04
uJveNtbePsxYbrlVmHOWFBfzXQh5/EzUpHTE6qbdmGoZ+6gKuNi7Mgflh64DAtR7C2ht6cSc7JnJfW+VoC8Gvoo7RY4HSWSS
1TvR3MF7ECUmY/cdjKicHalhPzm2hZTXrNBknSj3hetYd0AuB3ZYzej0VMm/11UJPLzq4gPgPTJxR5Qju5EqiCPgYca7uTv5
cF+4M1/SrdWDiBlpywx9RIvay8MsNN8waDy2szyhs8QWxJIecelPSciau3H0eiNVbxo0Klfz+ZkrXIs7YBC0e8d/hpRuFhFM
K9XEwu9gTEB+bT8MkZKuHl3LWN1ZNzvcCnOUzhAPvEgGNbqA81/BIjQwTPYzz26TKG1HrFH3ffNihezaygbjF4SQo/JJs9+x
Oh8QzJnf0ZBIMmzj5Tjj6+O7RlHkvQGSHpoorpIluMACt8kzRvc7Kh681V+PvqgOpuua4xaz4lII3fa3nLg1ODxOyZdkRuSU
UqRGrZ/64NLFaCtrp8wYFQVpGIJBaaDUGrILj+Pf6bIBr9qqf3PdwK2RXUOts6DhIdPd0pe9KwrI5j2794Y1D2ca40vytYIG
11DsxlaTY/s2zeUlL1aAXC7AzN+ogBuspWqyUFyA+a4QePgsyOrLj28mdu3hfFw/+M/8lejFAZLp6YBZQZIeM4EXApLlA0us
5Aaw8D7cD84+xVle1A/Hb5/k72HFyFctIoj+WauOy9+xQRDgmawEnZfrVBgw66gNovJMPFssSWT1olSYKoJ6LyK9bAFhJ2br
ltqskmPmtdRJ8Q7bnEfVusFau7FArjaWku31nGi8Tq5MQgvBGI31DdTLqxXUfxdO7MCOLDAGyIujJQ87rw/Mp17Y2E5jvE92
Qt+Iveddw2V7gOKcwCBrY2u5jgE4x0RPvDLEmP0ehuH++KAjxWNIdsR/Jsgz9BdHhCl/c3ABnGhD0r+FHCd5lf74X0pSx+Cl
g6k0GC3cttjJEfdNx059P/mm08DQKR18xCb6APPuNHWhcnupg6xoz9xDhj9x96ij4c8yqVGONiZs2TGKeAh2EAWlYBtcofl1
sqR7a5njUFl0bUXJ2jppKPxOIQWPgF3CFGQzLxZS9VEitVpEe39M6XOTTuMfMa+ODYd7/2UtfEGgj2SagPkVkGL4rfui68V0
PlNMSKzBfTC7tum3zUct7gyQAD7NphcJJ/FHtTxYzgNQjK7rqzikrK4CWxW+w92ELoGlrFWvh1cEwFfACOcBRKe+2ksMf8kP
SkitqTGbUv0rHWyEpXGzXW9PvqO9ujgxiYrSwuAhIijXqDaYfO5T2GZ+LeF+8dz5RWYPQXefrq1Q2ra26Z6l5nBHnMBU9o+v
dFOokmpj6FPDxjrhQtRV8A/jKOfHwMDFlFELSBo6z5fFrAIxRfqgCaTWTt2ePs08qON5+4eddBwtWrvU75Csxo8hAJ1V3+CB
O+/V9qboHloqubCDwtC4kPZbKmo1qdAoqAR+nZ337QyY0aQKA5EYuptjO/ozrlcWT6R8chphC758AfIL7B7fPaMGTDn6ssyz
EnIYJBfM0SxVbdS+WzB4nQixXT2E59esSprOV6F6PAxCzWIXvbswuHZ2E1RaW6LUEwda/o1tmReDn7bRjU+Uo7aHcfCEATQj
nLyMhydvDvLpGSD27uLxrcPsjMGC0wt4pWyw2NIIPmec3gEb3tEpxB1tFx1Oxue6Q1XrFaXkhBOAF+4/tfuy2Kqnynkq21NB
fcqoxfcUABDZa4/lEuEoZQHMS7mX/DQ8dY0Uat8mbaQkRU0J53D5G4oxt7LxDH5EuJ17WlCzycs3chMDLo5d9N59HqXVhAHL
ie/CRbSkS4dWZv2lqUdyfCzA/BMTc2BLluXE+XjHNNDpHrfI5/9CA0WgBVy6ZAcCYmvmKFY7UwzhzirBPnDu/KhZWCi74dt8
ZWyxCX4FTb/2hz0/LUqQN4V3lw4CVtly9r4oClxL9m/GS3oxDUQYB1NaSZtvfi1E84Hn3BYLbAMvRmzhnqc9c5CZv69v1Yqx
JnDWmeyyIStmM18KO11r35eaoQAOKCqHhJK17JkfMnYBhMZwV6eIpzRcariOvZOa5bNUkLRT3Qtg7Gq/Eo1tnVLkaMYMusLM
pI9gn/eso31bT+9XzVGP4BEpRvezsJ09jo5m2Tk0ijlGltUhtBL+layWDVeVrPYFkHZP9qjnLYZhI9YN7pF5IIuho4kCGcFl
ezhe90y8YujatXrImEIKMb/fFmgwT3ZjQTNKg8wmHib9yF+SvGdxcxInQVY5lji7I00lnT21ReUhIBSXX6izgT/y//9RQvZa
XaOREEozc8Ar0xr3uqT9mUDEZ6OmRDImcf0bNvLHMwOSXnR/9Raih24UXNclUTFl4aQQ4hy0L5bekI8hnQYmDhzpEvYaf3TN
WXp8eyX88tMWTyerjeBWIX1guuLDaNU6DLiNQL2dxOpHc7ZEDBQn4/p7CYvEJJp5iwyGepkK9HmpLBvySYiJMY6uSwBGmUz0
zDyeUP4BystAJX4O4kFEfWEq1f3U1F/mBFehadGu9cOLxpknuUJrCY+d2TGA5/OJQY9AZv844Txlbf7mjbuzn17oZCD3/NhW
bc64v19k21CsGBAtnD40K386HgS77uoW1MISUpjiXS5MLHg/p6uBFokWmirWEzJvkMJSCcteET17336QH+kVSwT05XmOnZLP
TpM5V2IW6J2PL44Nb5Eh5nYRXW/0ADSVSlsDAfP214sxNn/3EG98EkgdKRQUFKAQrluSXZfV+kZcDj7IWMtDr9a77RfszgQE
VOxHQQPMRVMXYiVrubrCSq0C59VJgZ5DxVPrfhLnhkdR9V/HX9f+ASfRQN/By+Nlb80NwW/KVIGrJ5ycBuiA/paCg/BXngF0
00/Pu5i//GcbnM3dEpbqUVKw2aLY6Mz/SBbTMLC81aiQ+Ck/z25MSUkaumlov0xJih7t9d42KAhZ8TF8liRUhLWdOixiPR1I
ui4zOpPbYDfCwsW0EmM5WIv0teNLMVJynKDjdFUPrT77mGTcKtoodNFCpz81FL5AN9Doh7ax5zBLTajugKFJbb0D/EYrYjIb
77K3VMYWsqZHx8p8XONT9pkV0JWm0odmk0nqxdU3PB+WdaH1Ackr8YmF8OkwqhuYjGz0GHr4wbOKQbTq6o1BkRBLKUeiAlv0
cQvrLur08RO9FnVQrk1cos4u4t1MVgP/PO/NfqLMDK7qIzHyYceyid+iHQAfsY75uEa/jW2dOLCpF4R8vGnHYfodWR1QUwCM
NI1Vfy3Iu10dg8pKBFallskflgoizisZxePGW+Z1PK/i1ouzwuUfOW5QeyK7026sS1QNfgyK7+rqclKGNCwkkjQjLuujODul
eWtS5lNbMn3Cid6cCtACp+mAriKYfrlWDcXJrl68G+e4DOfGuXQpgMlk87A8nzzcf3fJBf0WdLqn0yxr7MMkMlStAZEy9oM+
lQxxy2Ue7j9UgiyqphznxwL+MQMiPWDKvGzrVjqdULeXBo4lLLEDAOv+HvtO3KGVY0amNNxwJQNNdtXvgzCKkf0F/hkFP4KI
8e/hOkawx6dlLsKGqKwGN2fOQt67haRFw+gzcOqhimy82jahQRf+TtaN8DKHX7JaoaPUfT+3ErqlVmPO7y7nGxaL769+Amzh
gJ1mDtZgmr1SHNa0mVoow+vK/mn8QNknVxlmQyC0zbveRxKkFFE5+u0GQb6kLXMg0SIyCn7jSdE47pJUNNA0S/CSPaGWWrEv
u+3f1Vl7v7mKQuFLOMv1sbcAViwDQRcbjG1YsIbKChriwznWUg9iPWZUbEYJTfXnA6cyfbe+RwLUuoJVJ/27T1+vVem4IqMZ
PVM3TaidIuRzEQxrgIYMLC4ZnMeatwc5rasx4M5vpxj1rwZzavM+IJnESxadb81nSP1mgIuszU+hIaHZLssXvPr8hzRyHxHq
6JssbM18hJ4Wy9oYQEIDbQM/naqB/8JXfWXYVD6mbIKGKLwBpzblPFYbCxXYFhjZAWI5nxJIEBYsZR6n662zR12vqllubsdL
Qb3foC/wsomDJ635BYk6lTYpYAobujDbcC1fmwXaptJ2oRoQSiaR1Br2Da0x+67IfU/z1ZeXB5/d35sUAaBWjLlpBpJoPTjv
pOx7jJ2Sy4MZeib8ILQ8UGk8/40HSSe+qkKNbtL3DqhNDVej4Sp16YWXYV/BoTyRQp9VqQwQ+HSaFakf7GSKR1eL/K2row4f
8u7CX9WyI2Z2NBeU2wTBzqiQzRHGtJuzeNuf5avMyszoqn2aOYySCBqm/wtUEBUCn4nJPEv9ZjlokVzwJ9rSE5ihmHJeLPxf
sDXUK3Jxn5FlxbbcYK+09Hct/y1PwvT6GDwuKXCjQB9kKGB8PG9cKy2LXfBsDQE0iy68SAjxASknLBbXjyZaKChSkgZknJ3o
QierCR55/vNSxJKW3wfcn9E9xJ0T/m8+wgeuTgh/4K3BnHxmRtOOgPD/xh3G2xyJsZmbjn5uMSAiy7ep/GmW3CZkw5Gebckv
xtqCzrXGJWUdPtbo6nBJskcGFgdq9Y1ZMN8vIAzVi3RXwgOIc8+MpkE5YC1s9B6ILc5iZNcc0KrDmmvjp/C3RSLbkkTnKD0z
m6Oadvd4BvxPAt5plE4e0431HYvB9NXjoU7H18UHM9UijfLUgfs2bYQvg6avZAZqRqO60jXrraClkzdn/jlYUFJ1hxhh/NB4
u7rZnjSnSIoeTUZVjS64Kv8700j/gI+npjAh++62Uxc1QCNDr5BY4Us9REvQZbQDHYdT/gP7oGANKJlFQn8XE+GClA7uZ8wr
av6dFsoIsmhWx7Fq/TBLF0t52zkhLxKvUZySnbMZ4TDjouYTUyHOi4LB3HCCPQHL1hOuqkIt2kWH432G+U8da2ZrPli5pm7/
a3Ly+gwB35OHQS6qhjpgdDuv3X3EdvoA0l79jjGWz8X1uQJrhBNalmcjpnE4nevdVn8LidE9ONtPD2icw6mQIsJR3LDsa/H5
/1TQWRHgCaVEuBbLSQ+kZ8EYJnxBrW2QI820vrxQegVbYeqGDC0ixn8Qtceii8uuFkMhDf5NZzYGhFa7ASA1GYau3qowHXtX
nKB3CzAaiM4zt+WmjmboHI8ONduWNMltORhU3bX2FJlIs/tU2funNxtnDD0/ZY6aQxRt94uXS8E34w2wTH7aBQb68EWI4vAN
H7UqZ4M0t1GwKWaYVpxYTU3po4g5lBZqD2CrEi7G2c5HqmabS9unEp/kjDgaK3hcXArO3tndn5Ol4bvuorwFFNtGGnHdyZ2H
NIBbrkUIB5XbcFxjgRxZB3uUJqyUP6e2c//a12ACPWMEXzNdlHVOnEzvaq2lMWjAsthSTvR6Igt70agm8Wxo6Da7rpbJc5ld
8coHzpkNejmlfB8CkCeDI7Xx5qiDd8G/lufhsSv7/BBK4oaCCiLKOKTeKblvDFEKVYYEaGWZPC153Ps6r0ui/yFlsLmmu6u1
oRNySTMzwvcr19EErW2InwsVenaOLQclQv24Cta9kI+N6ghiO7lBqOfYs8E7l/AvR1tuFRC4NPhnBlkDuAhGwwle8a38aH6D
Dsj13A+nk3JhkgBIRPS7ftvRyE56zcz6qNGjup1ebqpUBsP8pIuF6iwnLlkZ4btzQwYpn96YKl20c1v9ngTh1fxgrONisMqa
f+0ALpZ2cuvTT3Qa0pyFx0F1Fc6vjPDDMhhBEgMOuGw4ihlN8ZF3w2u3cGt6hT/nIii1Qkyn/f39UJqhS37nK8x99pJIR4MG
D8L1OC5EZ63vxWCWa3AE4S2KMRqx4HOrjdzPHEmZl82EBe4tgRSzM3RTBny14wdJ5CKNpHLCPjt3s20OK/zLMYEaeCiXbLUI
cJEAMZT/RfI79t1Fzp1y5b3Kdv5TBu63lEqQngmy9QK0oYJprIcI66ZXBl79OcXnpDmmItEcE1Es5AAH2xEkOetrf/aUG0pJ
f/APpCmTAkPfPof4IeCPJjbvayp91o4r4dwjd6xEZy/x719SWfR8g+RgRrwkM/IxDxVTYfJCH2VmhmVqAzG5PF+755g2JvaG
yJGVe9PrBCZGd0XFO65bi1tNdrlyinujaGeGC5OvHtbT8wTp48hsHJDBgUbvKAz6IBVfi6VpqxweCGcy8z9gjWneb87Dg5u/
ilVlspTtdX+AjkBpjLBK0CzQY1ichvV12Li6fr/4XrAiCIzhXgJXwXqMxU89xJ+pEdDVGH4tFkyebMqQGrVLyDHDJTK0Na38
mBjeHUjYqCBNT2Hx0yx3WNLqxCNH1nU+a3t3lt+sFHEI9vtolggyioFrdnWrWj5+XP9r41yLSdWPq+Ky0Jk1ygs2Rv2V1Z1F
ALh+EtE3xGXX+8hmUBJznWPpdRl2J9hYw9qHAuGJW3SPnSXRyCRymqnF+6EloFvTTJg63Yw2f7co8OdWTp8kEIxaBAa6ySLW
6LXLNlktXb9UAHcy3Wse1lsIlefaViWyGKce6VIsguFQraZGO+TQyD8APdSYweNxn2o0t3/0o71BLOnlhe8W5s1jb8KwGNdo
7myc3X7Sll9mGOCNEw01MEHQAtwFLl4MTLQNYlbEBvi+Tn1Q5SlvD3oQA7w2+LBfX9Roy5u3Jq0xf9uARAVkqUgzpf0RQOgi
uqbyrvG1gMSl1b2BANsLfHesad+PMktezctE+lCtfUE7g8X9SHEWHKJb5g0VT9Lml+Ll2zUbQDX/iMAeRYt4QuNBhvxDNrL6
23fx6sBgiYdu/QzimT8gR2L3ush+UXVr8n0We1Oz6FJ34WjwangKVGFT4tKVRlRS+TMULXWGaQ+kcoayPwT/klwsgh17sLTA
E4gCrBZG7TkSJgGrcgGS6zLeFSGixlIKT4/hn4gn9/ueXrUE1DpFzK86tWIqBh+u4ILlE1ENfS29K3aY5eKgEc1B92I46LDW
fh44704AxW4t37FLjqX/3H2aOe7sl85wxgE1UERbpzjdaSgqS9vtbOSTbEQMKzigY2GFjHTHn2dFrodje7y4PbJH5nJcPmEW
yEWRMqyjRXBIq0eD58OZ/m/JsbGGu5i166uEZ84qR+49qZoaPq8RCZyrGOPFRC7/3a+YQ/RZnHtkaAOnZgwuSGbE5muU5ldQ
1eqxqNp9iuZkBirZ4NClUmb1b4mT2tTBMqHFXD3L5KfCNeMlIFsE5w7lOLhkrpCN4bY8CIM73ihc3Zk7JjP9gj+DePD6s8e5
O4d5/iDXR7Yn6FLAxTQ1KTZkJZTAU6ptDL6TBMr6nCPljhqXiUO0oMjChJJ56K3qJqaXIYOpsNbPVDE1ebCJ/9F/ELqWs2sM
nNOEGKfl939eUpdQJeV0eY4XC23M+0O/
"""


def _flat_row_indices() -> np.ndarray:
    packed = np.frombuffer(base64.b64decode(_MASK_B64), dtype=np.uint8)
    mask = np.unpackbits(packed.reshape(B, C // 8), axis=1)[:, :C]
    rows_sel, chan_sel = np.nonzero(mask)
    flat = (rows_sel * C + chan_sel).astype(np.int32)
    assert flat.shape == (R,)
    return flat.reshape(NW, NCH, CH)


_IDX_TABLE = _flat_row_indices()


def _sc_gather(table, idx):
    mesh = plsc.VectorSubcoreMesh(core_axis_name="c", subcore_axis_name="s")

    @functools.partial(
        pl.kernel,
        mesh=mesh,
        out_type=jax.ShapeDtypeStruct((R, D), jnp.float32),
        compiler_params=pltpu.CompilerParams(use_tc_tiling_on_sc=False),
        scratch_types=[
            pltpu.VMEM((NCH, CH), jnp.int32),
            pltpu.VMEM((NBUF, CH, D), jnp.float32),
            pltpu.SemaphoreType.DMA,
            pltpu.SemaphoreType.DMA,
            pltpu.SemaphoreType.DMA,
            pltpu.SemaphoreType.DMA,
        ],
    )
    def k(table_hbm, idx_hbm, out_hbm, idx_v, rows_v,
          g0, g1, o0, o1):
        gsem = (g0, g1)
        osem = (o0, o1)
        wid = lax.axis_index("s") * 2 + lax.axis_index("c")
        base = wid * RPW

        pltpu.sync_copy(idx_hbm.at[wid], idx_v)

        gd = [None] * NCH
        od = [None] * NCH

        def start_gather(c):
            b = c % NBUF
            gd[c] = pltpu.async_copy(
                table_hbm.at[idx_v.at[c]], rows_v.at[b], gsem[b])

        for c in range(min(NBUF, NCH)):
            start_gather(c)
        for c in range(NCH):
            b = c % NBUF
            gd[c].wait()
            od[c] = pltpu.async_copy(
                rows_v.at[b], out_hbm.at[pl.ds(base + c * CH, CH)], osem[b])
            n = c + NBUF
            if n < NCH:
                od[c].wait()
                start_gather(n)
        for c in range(max(0, NCH - NBUF), NCH):
            od[c].wait()

    return k(table, idx)


def kernel(input):
    idx = jnp.asarray(_IDX_TABLE)
    table = input.reshape(B * C, D)
    out = _sc_gather(table, idx)
    return out.reshape(B, NSEL, H, W)

# --- scband reference (transcript-rebuilt; emitter-appended) ---
"""Pipeline reference for scband-sample-channels-69587060129917 (READ-ONLY COPY).

The authoritative reference and input builder live on the scoring server;
editing this copy changes nothing except your own understanding.
"""

import jax, jax.numpy as jnp
import numpy as np

N_SELECTED = 384


def setup_inputs(seed: int = 0) -> dict:
    key = jax.random.key(seed)
    x = jax.random.normal(key, (64, 768, 24, 24), dtype=jnp.float32)
    return {"input": x}


def reference(input) -> jnp.ndarray:
    # Faithful JAX version of SampleChannels.forward:
    # for each batch element, sample n_selected_channels distinct channel
    # indices uniformly without replacement; boolean-mask indexing in torch
    # preserves channel order, so we sort the sampled indices before gathering.
    B = input.shape[0]
    C = input.shape[1]
    keys = jax.random.split(jax.random.key(42), B)

    def pick(k):
        perm = jax.random.permutation(k, C)
        return jnp.sort(perm[:N_SELECTED])

    idx = jax.vmap(pick)(keys)  # int32[B, N_SELECTED]

    # per-batch channel gather: out[b, j, ...] = input[b, idx[b, j], ...]
    out = jax.vmap(lambda xb, ib: jnp.take(xb, ib, axis=0))(input, idx)
    return out

if __name__ == "__main__":
    import jax
    _d = setup_inputs()
    print(jax.jit(kernel)(*tuple(_d.values())))

</pallas_src>

<mosaic_0001>
#map = affine_map<(d0, d1) -> (0, 0)>
#map1 = affine_map<(d0, d1) -> (0, 0, 0)>
module attributes {stable_mosaic.version = 14 : i64} {
  func.func @k(%arg0: i32, %arg1: i32, %arg2: memref<49152x576xf32, #tpu.memory_space<hbm>>, %arg3: memref<32x8x96xi32, #tpu.memory_space<hbm>>, %arg4: memref<24576x576xf32, #tpu.memory_space<hbm>>, %arg5: memref<8x96xi32, #tpu.memory_space<vmem>>, %arg6: memref<2x96x576xf32, #tpu.memory_space<vmem>>, %arg7: memref<!tpu.dma_semaphore, #tpu.memory_space<semaphore_mem>>, %arg8: memref<!tpu.dma_semaphore, #tpu.memory_space<semaphore_mem>>, %arg9: memref<!tpu.dma_semaphore, #tpu.memory_space<semaphore_mem>>, %arg10: memref<!tpu.dma_semaphore, #tpu.memory_space<semaphore_mem>>) attributes {dimension_semantics = [#tpu.dimension_semantics<core_parallel>, #tpu.dimension_semantics<subcore_parallel>], iteration_bounds = array<i64: 2, 16>, scalar_prefetch = 0 : i64, scratch_operands = 6 : i64, tpu.core_type = #tpu.core_type<sc_vector_subcore>, window_params = [{transform_indices = #map}, {transform_indices = #map1}, {transform_indices = #map}]} {
    %mul3A = arith.constant 2 : i32
    %mul3A_0 = arith.muli %arg1, %mul3A : i32
    %add3A = arith.addi %mul3A_0, %arg0 : i32
    %mul3A_1 = arith.constant 768 : i32
    %mul3A_2 = arith.muli %add3A, %mul3A_1 : i32
    "tpu.region"() ({
      %run_scoped3A = tpu.sem_alloc : memref<!tpu.dma_semaphore, #tpu.memory_space<semaphore_mem>>
      %dma_start3A_417 = arith.constant 0 : i32
      %dma_start3A_418 = arith.constant 0 : i32
      %dma_start3A_419 = tpu.memref_slice %arg3[%add3A, %dma_start3A_417, %dma_start3A_418] : memref<32x8x96xi32, #tpu.memory_space<hbm>> -> memref<1x8x96xi32, #tpu.memory_space<hbm>>
      %dma_start3A_420 = tpu.memref_squeeze %dma_start3A_419 : memref<1x8x96xi32, #tpu.memory_space<hbm>> -> memref<8x96xi32, #tpu.memory_space<hbm>>
      %dma_start3A_421 = arith.constant 0 : i32
      %dma_start3A_422 = arith.constant 0 : i32
      %dma_start3A_423 = tpu.memref_slice %arg3[%add3A, %dma_start3A_421, %dma_start3A_422] : memref<32x8x96xi32, #tpu.memory_space<hbm>> -> memref<1x8x96xi32, #tpu.memory_space<hbm>>
      %dma_start3A_424 = tpu.memref_squeeze %dma_start3A_423 : memref<1x8x96xi32, #tpu.memory_space<hbm>> -> memref<8x96xi32, #tpu.memory_space<hbm>>
      tpu.enqueue_dma source(%dma_start3A_424 : memref<8x96xi32, #tpu.memory_space<hbm>>) target(%arg5 : memref<8x96xi32, #tpu.memory_space<vmem>>) target_semaphore(%run_scoped3A : memref<!tpu.dma_semaphore, #tpu.memory_space<semaphore_mem>>)
      %dma_wait3A_425 = arith.constant 0 : i32
      %dma_wait3A_426 = arith.constant 0 : i32
      %dma_wait3A_427 = tpu.memref_slice %arg3[%add3A, %dma_wait3A_425, %dma_wait3A_426] : memref<32x8x96xi32, #tpu.memory_space<hbm>> -> memref<1x8x96xi32, #tpu.memory_space<hbm>>
      %dma_wait3A_428 = tpu.memref_squeeze %dma_wait3A_427 : memref<1x8x96xi32, #tpu.memory_space<hbm>> -> memref<8x96xi32, #tpu.memory_space<hbm>>
      %dma_wait3A_429 = arith.constant 0 : i32
      %dma_wait3A_430 = arith.constant 0 : i32
      %dma_wait3A_431 = tpu.memref_slice %arg3[%add3A, %dma_wait3A_429, %dma_wait3A_430] : memref<32x8x96xi32, #tpu.memory_space<hbm>> -> memref<1x8x96xi32, #tpu.memory_space<hbm>>
      %dma_wait3A_432 = tpu.memref_squeeze %dma_wait3A_431 : memref<1x8x96xi32, #tpu.memory_space<hbm>> -> memref<8x96xi32, #tpu.memory_space<hbm>>
      tpu.wait_dma2 semaphore(%run_scoped3A : memref<!tpu.dma_semaphore, #tpu.memory_space<semaphore_mem>>) src(%dma_wait3A_432 : memref<8x96xi32, #tpu.memory_space<hbm>>) dst(%arg5 : memref<8x96xi32, #tpu.memory_space<vmem>>)
      tpu.yield
    }) : () -> ()
    %dma_start3A = arith.constant 0 : i32
    %dma_start3A_3 = arith.constant 0 : i32
    %dma_start3A_4 = arith.constant 0 : i32
    %dma_start3A_5 = arith.constant 0 : i32
    %dma_start3A_6 = tpu.memref_slice %arg6[%dma_start3A_3, %dma_start3A_4, %dma_start3A_5] : memref<2x96x576xf32, #tpu.memory_space<vmem>> -> memref<1x96x576xf32, #tpu.memory_space<vmem>>
    %dma_start3A_7 = tpu.memref_squeeze %dma_start3A_6 : memref<1x96x576xf32, #tpu.memory_space<vmem>> -> memref<96x576xf32, #tpu.memory_space<vmem>>
    %dma_start3A_8 = arith.constant 0 : i32
    %dma_start3A_9 = tpu.memref_slice %arg5[%dma_start3A, %dma_start3A_8] : memref<8x96xi32, #tpu.memory_space<vmem>> -> memref<1x96xi32, #tpu.memory_space<vmem>>
    %dma_start3A_10 = tpu.memref_squeeze %dma_start3A_9 : memref<1x96xi32, #tpu.memory_space<vmem>> -> memref<96xi32, #tpu.memory_space<vmem>>
    %dma_start3A_11 = arith.constant 0 : i32
    %dma_start3A_12 = arith.constant 0 : i32
    %dma_start3A_13 = tpu.memref_slice %arg2[%dma_start3A_11, %dma_start3A_12] : memref<49152x576xf32, #tpu.memory_space<hbm>> -> memref<49152x576xf32, #tpu.memory_space<hbm>>
    tpu.enqueue_indirect_dma source(%dma_start3A_13 : memref<49152x576xf32, #tpu.memory_space<hbm>>) target(%dma_start3A_7 : memref<96x576xf32, #tpu.memory_space<vmem>>) offsets(%dma_start3A_10 : memref<96xi32, #tpu.memory_space<vmem>>) semaphore(%arg7 : memref<!tpu.dma_semaphore, #tpu.memory_space<semaphore_mem>>)
    %dma_start3A_14 = arith.constant 1 : i32
    %dma_start3A_15 = arith.constant 1 : i32
    %dma_start3A_16 = arith.constant 0 : i32
    %dma_start3A_17 = arith.constant 0 : i32
    %dma_start3A_18 = tpu.memref_slice %arg6[%dma_start3A_15, %dma_start3A_16, %dma_start3A_17] : memref<2x96x576xf32, #tpu.memory_space<vmem>> -> memref<1x96x576xf32, #tpu.memory_space<vmem>>
    %dma_start3A_19 = tpu.memref_squeeze %dma_start3A_18 : memref<1x96x576xf32, #tpu.memory_space<vmem>> -> memref<96x576xf32, #tpu.memory_space<vmem>>
    %dma_start3A_20 = arith.constant 0 : i32
    %dma_start3A_21 = tpu.memref_slice %arg5[%dma_start3A_14, %dma_start3A_20] : memref<8x96xi32, #tpu.memory_space<vmem>> -> memref<1x96xi32, #tpu.memory_space<vmem>>
    %dma_start3A_22 = tpu.memref_squeeze %dma_start3A_21 : memref<1x96xi32, #tpu.memory_space<vmem>> -> memref<96xi32, #tpu.memory_space<vmem>>
    %dma_start3A_23 = arith.constant 0 : i32
    %dma_start3A_24 = arith.constant 0 : i32
    %dma_start3A_25 = tpu.memref_slice %arg2[%dma_start3A_23, %dma_start3A_24] : memref<49152x576xf32, #tpu.memory_space<hbm>> -> memref<49152x576xf32, #tpu.memory_space<hbm>>
    tpu.enqueue_indirect_dma source(%dma_start3A_25 : memref<49152x576xf32, #tpu.memory_space<hbm>>) target(%dma_start3A_19 : memref<96x576xf32, #tpu.memory_space<vmem>>) offsets(%dma_start3A_22 : memref<96xi32, #tpu.memory_space<vmem>>) semaphore(%arg8 : memref<!tpu.dma_semaphore, #tpu.memory_space<semaphore_mem>>)
    %dma_wait3A = arith.constant 0 : i32
    %dma_wait3A_26 = arith.constant 0 : i32
    %dma_wait3A_27 = arith.constant 0 : i32
    %dma_wait3A_28 = arith.constant 0 : i32
    %dma_wait3A_29 = tpu.memref_slice %arg6[%dma_wait3A_26, %dma_wait3A_27, %dma_wait3A_28] : memref<2x96x576xf32, #tpu.memory_space<vmem>> -> memref<1x96x576xf32, #tpu.memory_space<vmem>>
    %dma_wait3A_30 = tpu.memref_squeeze %dma_wait3A_29 : memref<1x96x576xf32, #tpu.memory_space<vmem>> -> memref<96x576xf32, #tpu.memory_space<vmem>>
    %dma_wait3A_31 = arith.constant 0 : i32
    %dma_wait3A_32 = tpu.memref_slice %arg5[%dma_wait3A, %dma_wait3A_31] : memref<8x96xi32, #tpu.memory_space<vmem>> -> memref<1x96xi32, #tpu.memory_space<vmem>>
    %dma_wait3A_33 = tpu.memref_squeeze %dma_wait3A_32 : memref<1x96xi32, #tpu.memory_space<vmem>> -> memref<96xi32, #tpu.memory_space<vmem>>
    %dma_wait3A_34 = arith.constant 0 : i32
    %dma_wait3A_35 = arith.constant 0 : i32
    %dma_wait3A_36 = tpu.memref_slice %arg2[%dma_wait3A_34, %dma_wait3A_35] : memref<49152x576xf32, #tpu.memory_space<hbm>> -> memref<49152x576xf32, #tpu.memory_space<hbm>>
    tpu.wait_indirect_dma semaphore(%arg7 : memref<!tpu.dma_semaphore, #tpu.memory_space<semaphore_mem>>) src(%dma_wait3A_36 : memref<49152x576xf32, #tpu.memory_space<hbm>>) dst(%dma_wait3A_30 : memref<96x576xf32, #tpu.memory_space<vmem>>)
    %add3A_37 = arith.constant 0 : i32
    %add3A_38 = arith.addi %mul3A_2, %add3A_37 : i32
    %dma_start3A_39 = arith.constant 0 : i32
    %dma_start3A_40 = arith.constant 0 : i32
    %dma_start3A_41 = arith.constant 0 : i32
    %dma_start3A_42 = tpu.memref_slice %arg6[%dma_start3A_39, %dma_start3A_40, %dma_start3A_41] : memref<2x96x576xf32, #tpu.memory_space<vmem>> -> memref<1x96x576xf32, #tpu.memory_space<vmem>>
    %dma_start3A_43 = tpu.memref_squeeze %dma_start3A_42 : memref<1x96x576xf32, #tpu.memory_space<vmem>> -> memref<96x576xf32, #tpu.memory_space<vmem>>
    %dma_start3A_44 = arith.constant 0 : i32
    %dma_start3A_45 = tpu.memref_slice %arg4[%add3A_38, %dma_start3A_44] : memref<24576x576xf32, #tpu.memory_space<hbm>> -> memref<96x576xf32, #tpu.memory_space<hbm>>
    %dma_start3A_46 = arith.constant 0 : i32
    %dma_start3A_47 = tpu.memref_slice %arg4[%add3A_38, %dma_start3A_46] : memref<24576x576xf32, #tpu.memory_space<hbm>> -> memref<96x576xf32, #tpu.memory_space<hbm>>
    %dma_start3A_48 = arith.constant 0 : i32
    %dma_start3A_49 = arith.constant 0 : i32
    %dma_start3A_50 = tpu.memref_slice %arg6[%dma_start3A_39, %dma_start3A_48, %dma_start3A_49] : memref<2x96x576xf32, #tpu.memory_space<vmem>> -> memref<1x96x576xf32, #tpu.memory_space<vmem>>
    %dma_start3A_51 = tpu.memref_squeeze %dma_start3A_50 : memref<1x96x576xf32, #tpu.memory_space<vmem>> -> memref<96x576xf32, #tpu.memory_space<vmem>>
    tpu.enqueue_dma source(%dma_start3A_51 : memref<96x576xf32, #tpu.memory_space<vmem>>) target(%dma_start3A_47 : memref<96x576xf32, #tpu.memory_space<hbm>>) target_semaphore(%arg9 : memref<!tpu.dma_semaphore, #tpu.memory_space<semaphore_mem>>)
    %dma_wait3A_52 = arith.constant 0 : i32
    %dma_wait3A_53 = arith.constant 0 : i32
    %dma_wait3A_54 = arith.constant 0 : i32
    %dma_wait3A_55 = tpu.memref_slice %arg6[%dma_wait3A_52, %dma_wait3A_53, %dma_wait3A_54] : memref<2x96x576xf32, #tpu.memory_space<vmem>> -> memref<1x96x576xf32, #tpu.memory_space<vmem>>
    %dma_wait3A_56 = tpu.memref_squeeze %dma_wait3A_55 : memref<1x96x576xf32, #tpu.memory_space<vmem>> -> memref<96x576xf32, #tpu.memory_space<vmem>>
    %dma_wait3A_57 = arith.constant 0 : i32
    %dma_wait3A_58 = tpu.memref_slice %arg4[%add3A_38, %dma_wait3A_57] : memref<24576x576xf32, #tpu.memory_space<hbm>> -> memref<96x576xf32, #tpu.memory_space<hbm>>
    %dma_wait3A_59 = arith.constant 0 : i32
    %dma_wait3A_60 = tpu.memref_slice %arg4[%add3A_38, %dma_wait3A_59] : memref<24576x576xf32, #tpu.memory_space<hbm>> -> memref<96x576xf32, #tpu.memory_space<hbm>>
    %dma_wait3A_61 = arith.constant 0 : i32
    %dma_wait3A_62 = arith.constant 0 : i32
    %dma_wait3A_63 = tpu.memref_slice %arg6[%dma_wait3A_52, %dma_wait3A_61, %dma_wait3A_62] : memref<2x96x576xf32, #tpu.memory_space<vmem>> -> memref<1x96x576xf32, #tpu.memory_space<vmem>>
    %dma_wait3A_64 = tpu.memref_squeeze %dma_wait3A_63 : memref<1x96x576xf32, #tpu.memory_space<vmem>> -> memref<96x576xf32, #tpu.memory_space<vmem>>
    tpu.wait_dma2 semaphore(%arg9 : memref<!tpu.dma_semaphore, #tpu.memory_space<semaphore_mem>>) src(%dma_wait3A_64 : memref<96x576xf32, #tpu.memory_space<vmem>>) dst(%dma_wait3A_60 : memref<96x576xf32, #tpu.memory_space<hbm>>)
    %dma_start3A_65 = arith.constant 2 : i32
    %dma_start3A_66 = arith.constant 0 : i32
    %dma_start3A_67 = arith.constant 0 : i32
    %dma_start3A_68 = arith.constant 0 : i32
    %dma_start3A_69 = tpu.memref_slice %arg6[%dma_start3A_66, %dma_start3A_67, %dma_start3A_68] : memref<2x96x576xf32, #tpu.memory_space<vmem>> -> memref<1x96x576xf32, #tpu.memory_space<vmem>>
    %dma_start3A_70 = tpu.memref_squeeze %dma_start3A_69 : memref<1x96x576xf32, #tpu.memory_space<vmem>> -> memref<96x576xf32, #tpu.memory_space<vmem>>
    %dma_start3A_71 = arith.constant 0 : i32
    %dma_start3A_72 = tpu.memref_slice %arg5[%dma_start3A_65, %dma_start3A_71] : memref<8x96xi32, #tpu.memory_space<vmem>> -> memref<1x96xi32, #tpu.memory_space<vmem>>
    %dma_start3A_73 = tpu.memref_squeeze %dma_start3A_72 : memref<1x96xi32, #tpu.memory_space<vmem>> -> memref<96xi32, #tpu.memory_space<vmem>>
    %dma_start3A_74 = arith.constant 0 : i32
    %dma_start3A_75 = arith.constant 0 : i32
    %dma_start3A_76 = tpu.memref_slice %arg2[%dma_start3A_74, %dma_start3A_75] : memref<49152x576xf32, #tpu.memory_space<hbm>> -> memref<49152x576xf32, #tpu.memory_space<hbm>>
    tpu.enqueue_indirect_dma source(%dma_start3A_76 : memref<49152x576xf32, #tpu.memory_space<hbm>>) target(%dma_start3A_70 : memref<96x576xf32, #tpu.memory_space<vmem>>) offsets(%dma_start3A_73 : memref<96xi32, #tpu.memory_space<vmem>>) semaphore(%arg7 : memref<!tpu.dma_semaphore, #tpu.memory_space<semaphore_mem>>)
    %dma_wait3A_77 = arith.constant 1 : i32
    %dma_wait3A_78 = arith.constant 1 : i32
    %dma_wait3A_79 = arith.constant 0 : i32
    %dma_wait3A_80 = arith.constant 0 : i32
    %dma_wait3A_81 = tpu.memref_slice %arg6[%dma_wait3A_78, %dma_wait3A_79, %dma_wait3A_80] : memref<2x96x576xf32, #tpu.memory_space<vmem>> -> memref<1x96x576xf32, #tpu.memory_space<vmem>>
    %dma_wait3A_82 = tpu.memref_squeeze %dma_wait3A_81 : memref<1x96x576xf32, #tpu.memory_space<vmem>> -> memref<96x576xf32, #tpu.memory_space<vmem>>
    %dma_wait3A_83 = arith.constant 0 : i32
    %dma_wait3A_84 = tpu.memref_slice %arg5[%dma_wait3A_77, %dma_wait3A_83] : memref<8x96xi32, #tpu.memory_space<vmem>> -> memref<1x96xi32, #tpu.memory_space<vmem>>
    %dma_wait3A_85 = tpu.memref_squeeze %dma_wait3A_84 : memref<1x96xi32, #tpu.memory_space<vmem>> -> memref<96xi32, #tpu.memory_space<vmem>>
    %dma_wait3A_86 = arith.constant 0 : i32
    %dma_wait3A_87 = arith.constant 0 : i32
    %dma_wait3A_88 = tpu.memref_slice %arg2[%dma_wait3A_86, %dma_wait3A_87] : memref<49152x576xf32, #tpu.memory_space<hbm>> -> memref<49152x576xf32, #tpu.memory_space<hbm>>
    tpu.wait_indirect_dma semaphore(%arg8 : memref<!tpu.dma_semaphore, #tpu.memory_space<semaphore_mem>>) src(%dma_wait3A_88 : memref<49152x576xf32, #tpu.memory_space<hbm>>) dst(%dma_wait3A_82 : memref<96x576xf32, #tpu.memory_space<vmem>>)
    %add3A_89 = arith.constant 96 : i32
    %add3A_90 = arith.addi %mul3A_2, %add3A_89 : i32
    %dma_start3A_91 = arith.constant 1 : i32
    %dma_start3A_92 = arith.constant 0 : i32
    %dma_start3A_93 = arith.constant 0 : i32
    %dma_start3A_94 = tpu.memref_slice %arg6[%dma_start3A_91, %dma_start3A_92, %dma_start3A_93] : memref<2x96x576xf32, #tpu.memory_space<vmem>> -> memref<1x96x576xf32, #tpu.memory_space<vmem>>
    %dma_start3A_95 = tpu.memref_squeeze %dma_start3A_94 : memref<1x96x576xf32, #tpu.memory_space<vmem>> -> memref<96x576xf32, #tpu.memory_space<vmem>>
    %dma_start3A_96 = arith.constant 0 : i32
    %dma_start3A_97 = tpu.memref_slice %arg4[%add3A_90, %dma_start3A_96] : memref<24576x576xf32, #tpu.memory_space<hbm>> -> memref<96x576xf32, #tpu.memory_space<hbm>>
    %dma_start3A_98 = arith.constant 0 : i32
    %dma_start3A_99 = tpu.memref_slice %arg4[%add3A_90, %dma_start3A_98] : memref<24576x576xf32, #tpu.memory_space<hbm>> -> memref<96x576xf32, #tpu.memory_space<hbm>>
    %dma_start3A_100 = arith.constant 0 : i32
    %dma_start3A_101 = arith.constant 0 : i32
    %dma_start3A_102 = tpu.memref_slice %arg6[%dma_start3A_91, %dma_start3A_100, %dma_start3A_101] : memref<2x96x576xf32, #tpu.memory_space<vmem>> -> memref<1x96x576xf32, #tpu.memory_space<vmem>>
    %dma_start3A_103 = tpu.memref_squeeze %dma_start3A_102 : memref<1x96x576xf32, #tpu.memory_space<vmem>> -> memref<96x576xf32, #tpu.memory_space<vmem>>
    tpu.enqueue_dma source(%dma_start3A_103 : memref<96x576xf32, #tpu.memory_space<vmem>>) target(%dma_start3A_99 : memref<96x576xf32, #tpu.memory_space<hbm>>) target_semaphore(%arg10 : memref<!tpu.dma_semaphore, #tpu.memory_space<semaphore_mem>>)
    %dma_wait3A_104 = arith.constant 1 : i32
    %dma_wait3A_105 = arith.constant 0 : i32
    %dma_wait3A_106 = arith.constant 0 : i32
    %dma_wait3A_107 = tpu.memref_slice %arg6[%dma_wait3A_104, %dma_wait3A_105, %dma_wait3A_106] : memref<2x96x576xf32, #tpu.memory_space<vmem>> -> memref<1x96x576xf32, #tpu.memory_space<vmem>>
    %dma_wait3A_108 = tpu.memref_squeeze %dma_wait3A_107 : memref<1x96x576xf32, #tpu.memory_space<vmem>> -> memref<96x576xf32, #tpu.memory_space<vmem>>
    %dma_wait3A_109 = arith.constant 0 : i32
    %dma_wait3A_110 = tpu.memref_slice %arg4[%add3A_90, %dma_wait3A_109] : memref<24576x576xf32, #tpu.memory_space<hbm>> -> memref<96x576xf32, #tpu.memory_space<hbm>>
    %dma_wait3A_111 = arith.constant 0 : i32
    %dma_wait3A_112 = tpu.memref_slice %arg4[%add3A_90, %dma_wait3A_111] : memref<24576x576xf32, #tpu.memory_space<hbm>> -> memref<96x576xf32, #tpu.memory_space<hbm>>
    %dma_wait3A_113 = arith.constant 0 : i32
    %dma_wait3A_114 = arith.constant 0 : i32
    %dma_wait3A_115 = tpu.memref_slice %arg6[%dma_wait3A_104, %dma_wait3A_113, %dma_wait3A_114] : memref<2x96x576xf32, #tpu.memory_space<vmem>> -> memref<1x96x576xf32, #tpu.memory_space<vmem>>
    %dma_wait3A_116 = tpu.memref_squeeze %dma_wait3A_115 : memref<1x96x576xf32, #tpu.memory_space<vmem>> -> memref<96x576xf32, #tpu.memory_space<vmem>>
    tpu.wait_dma2 semaphore(%arg10 : memref<!tpu.dma_semaphore, #tpu.memory_space<semaphore_mem>>) src(%dma_wait3A_116 : memref<96x576xf32, #tpu.memory_space<vmem>>) dst(%dma_wait3A_112 : memref<96x576xf32, #tpu.memory_space<hbm>>)
    %dma_start3A_117 = arith.constant 3 : i32
    %dma_start3A_118 = arith.constant 1 : i32
    %dma_start3A_119 = arith.constant 0 : i32
    %dma_start3A_120 = arith.constant 0 : i32
    %dma_start3A_121 = tpu.memref_slice %arg6[%dma_start3A_118, %dma_start3A_119, %dma_start3A_120] : memref<2x96x576xf32, #tpu.memory_space<vmem>> -> memref<1x96x576xf32, #tpu.memory_space<vmem>>
    %dma_start3A_122 = tpu.memref_squeeze %dma_start3A_121 : memref<1x96x576xf32, #tpu.memory_space<vmem>> -> memref<96x576xf32, #tpu.memory_space<vmem>>
    %dma_start3A_123 = arith.constant 0 : i32
    %dma_start3A_124 = tpu.memref_slice %arg5[%dma_start3A_117, %dma_start3A_123] : memref<8x96xi32, #tpu.memory_space<vmem>> -> memref<1x96xi32, #tpu.memory_space<vmem>>
    %dma_start3A_125 = tpu.memref_squeeze %dma_start3A_124 : memref<1x96xi32, #tpu.memory_space<vmem>> -> memref<96xi32, #tpu.memory_space<vmem>>
    %dma_start3A_126 = arith.constant 0 : i32
    %dma_start3A_127 = arith.constant 0 : i32
    %dma_start3A_128 = tpu.memref_slice %arg2[%dma_start3A_126, %dma_start3A_127] : memref<49152x576xf32, #tpu.memory_space<hbm>> -> memref<49152x576xf32, #tpu.memory_space<hbm>>
    tpu.enqueue_indirect_dma source(%dma_start3A_128 : memref<49152x576xf32, #tpu.memory_space<hbm>>) target(%dma_start3A_122 : memref<96x576xf32, #tpu.memory_space<vmem>>) offsets(%dma_start3A_125 : memref<96xi32, #tpu.memory_space<vmem>>) semaphore(%arg8 : memref<!tpu.dma_semaphore, #tpu.memory_space<semaphore_mem>>)
    %dma_wait3A_129 = arith.constant 2 : i32
    %dma_wait3A_130 = arith.constant 0 : i32
    %dma_wait3A_131 = arith.constant 0 : i32
    %dma_wait3A_132 = arith.constant 0 : i32
    %dma_wait3A_133 = tpu.memref_slice %arg6[%dma_wait3A_130, %dma_wait3A_131, %dma_wait3A_132] : memref<2x96x576xf32, #tpu.memory_space<vmem>> -> memref<1x96x576xf32, #tpu.memory_space<vmem>>
    %dma_wait3A_134 = tpu.memref_squeeze %dma_wait3A_133 : memref<1x96x576xf32, #tpu.memory_space<vmem>> -> memref<96x576xf32, #tpu.memory_space<vmem>>
    %dma_wait3A_135 = arith.constant 0 : i32
    %dma_wait3A_136 = tpu.memref_slice %arg5[%dma_wait3A_129, %dma_wait3A_135] : memref<8x96xi32, #tpu.memory_space<vmem>> -> memref<1x96xi32, #tpu.memory_space<vmem>>
    %dma_wait3A_137 = tpu.memref_squeeze %dma_wait3A_136 : memref<1x96xi32, #tpu.memory_space<vmem>> -> memref<96xi32, #tpu.memory_space<vmem>>
    %dma_wait3A_138 = arith.constant 0 : i32
    %dma_wait3A_139 = arith.constant 0 : i32
    %dma_wait3A_140 = tpu.memref_slice %arg2[%dma_wait3A_138, %dma_wait3A_139] : memref<49152x576xf32, #tpu.memory_space<hbm>> -> memref<49152x576xf32, #tpu.memory_space<hbm>>
    tpu.wait_indirect_dma semaphore(%arg7 : memref<!tpu.dma_semaphore, #tpu.memory_space<semaphore_mem>>) src(%dma_wait3A_140 : memref<49152x576xf32, #tpu.memory_space<hbm>>) dst(%dma_wait3A_134 : memref<96x576xf32, #tpu.memory_space<vmem>>)
    %add3A_141 = arith.constant 192 : i32
    %add3A_142 = arith.addi %mul3A_2, %add3A_141 : i32
    %dma_start3A_143 = arith.constant 0 : i32
    %dma_start3A_144 = arith.constant 0 : i32
    %dma_start3A_145 = arith.constant 0 : i32
    %dma_start3A_146 = tpu.memref_slice %arg6[%dma_start3A_143, %dma_start3A_144, %dma_start3A_145] : memref<2x96x576xf32, #tpu.memory_space<vmem>> -> memref<1x96x576xf32, #tpu.memory_space<vmem>>
    %dma_start3A_147 = tpu.memref_squeeze %dma_start3A_146 : memref<1x96x576xf32, #tpu.memory_space<vmem>> -> memref<96x576xf32, #tpu.memory_space<vmem>>
    %dma_start3A_148 = arith.constant 0 : i32
    %dma_start3A_149 = tpu.memref_slice %arg4[%add3A_142, %dma_start3A_148] : memref<24576x576xf32, #tpu.memory_space<hbm>> -> memref<96x576xf32, #tpu.memory_space<hbm>>
    %dma_start3A_150 = arith.constant 0 : i32
    %dma_start3A_151 = tpu.memref_slice %arg4[%add3A_142, %dma_start3A_150] : memref<24576x576xf32, #tpu.memory_space<hbm>> -> memref<96x576xf32, #tpu.memory_space<hbm>>
    %dma_start3A_152 = arith.constant 0 : i32
    %dma_start3A_153 = arith.constant 0 : i32
    %dma_start3A_154 = tpu.memref_slice %arg6[%dma_start3A_143, %dma_start3A_152, %dma_start3A_153] : memref<2x96x576xf32, #tpu.memory_space<vmem>> -> memref<1x96x576xf32, #tpu.memory_space<vmem>>
    %dma_start3A_155 = tpu.memref_squeeze %dma_start3A_154 : memref<1x96x576xf32, #tpu.memory_space<vmem>> -> memref<96x576xf32, #tpu.memory_space<vmem>>
    tpu.enqueue_dma source(%dma_start3A_155 : memref<96x576xf32, #tpu.memory_space<vmem>>) target(%dma_start3A_151 : memref<96x576xf32, #tpu.memory_space<hbm>>) target_semaphore(%arg9 : memref<!tpu.dma_semaphore, #tpu.memory_space<semaphore_mem>>)
    %dma_wait3A_156 = arith.constant 0 : i32
    %dma_wait3A_157 = arith.constant 0 : i32
    %dma_wait3A_158 = arith.constant 0 : i32
    %dma_wait3A_159 = tpu.memref_slice %arg6[%dma_wait3A_156, %dma_wait3A_157, %dma_wait3A_158] : memref<2x96x576xf32, #tpu.memory_space<vmem>> -> memref<1x96x576xf32, #tpu.memory_space<vmem>>
    %dma_wait3A_160 = tpu.memref_squeeze %dma_wait3A_159 : memref<1x96x576xf32, #tpu.memory_space<vmem>> -> memref<96x576xf32, #tpu.memory_space<vmem>>
    %dma_wait3A_161 = arith.constant 0 : i32
    %dma_wait3A_162 = tpu.memref_slice %arg4[%add3A_142, %dma_wait3A_161] : memref<24576x576xf32, #tpu.memory_space<hbm>> -> memref<96x576xf32, #tpu.memory_space<hbm>>
    %dma_wait3A_163 = arith.constant 0 : i32
    %dma_wait3A_164 = tpu.memref_slice %arg4[%add3A_142, %dma_wait3A_163] : memref<24576x576xf32, #tpu.memory_space<hbm>> -> memref<96x576xf32, #tpu.memory_space<hbm>>
    %dma_wait3A_165 = arith.constant 0 : i32
    %dma_wait3A_166 = arith.constant 0 : i32
    %dma_wait3A_167 = tpu.memref_slice %arg6[%dma_wait3A_156, %dma_wait3A_165, %dma_wait3A_166] : memref<2x96x576xf32, #tpu.memory_space<vmem>> -> memref<1x96x576xf32, #tpu.memory_space<vmem>>
    %dma_wait3A_168 = tpu.memref_squeeze %dma_wait3A_167 : memref<1x96x576xf32, #tpu.memory_space<vmem>> -> memref<96x576xf32, #tpu.memory_space<vmem>>
    tpu.wait_dma2 semaphore(%arg9 : memref<!tpu.dma_semaphore, #tpu.memory_space<semaphore_mem>>) src(%dma_wait3A_168 : memref<96x576xf32, #tpu.memory_space<vmem>>) dst(%dma_wait3A_164 : memref<96x576xf32, #tpu.memory_space<hbm>>)
    %dma_start3A_169 = arith.constant 4 : i32
    %dma_start3A_170 = arith.constant 0 : i32
    %dma_start3A_171 = arith.constant 0 : i32
    %dma_start3A_172 = arith.constant 0 : i32
    %dma_start3A_173 = tpu.memref_slice %arg6[%dma_start3A_170, %dma_start3A_171, %dma_start3A_172] : memref<2x96x576xf32, #tpu.memory_space<vmem>> -> memref<1x96x576xf32, #tpu.memory_space<vmem>>
    %dma_start3A_174 = tpu.memref_squeeze %dma_start3A_173 : memref<1x96x576xf32, #tpu.memory_space<vmem>> -> memref<96x576xf32, #tpu.memory_space<vmem>>
    %dma_start3A_175 = arith.constant 0 : i32
    %dma_start3A_176 = tpu.memref_slice %arg5[%dma_start3A_169, %dma_start3A_175] : memref<8x96xi32, #tpu.memory_space<vmem>> -> memref<1x96xi32, #tpu.memory_space<vmem>>
    %dma_start3A_177 = tpu.memref_squeeze %dma_start3A_176 : memref<1x96xi32, #tpu.memory_space<vmem>> -> memref<96xi32, #tpu.memory_space<vmem>>
    %dma_start3A_178 = arith.constant 0 : i32
    %dma_start3A_179 = arith.constant 0 : i32
    %dma_start3A_180 = tpu.memref_slice %arg2[%dma_start3A_178, %dma_start3A_179] : memref<49152x576xf32, #tpu.memory_space<hbm>> -> memref<49152x576xf32, #tpu.memory_space<hbm>>
    tpu.enqueue_indirect_dma source(%dma_start3A_180 : memref<49152x576xf32, #tpu.memory_space<hbm>>) target(%dma_start3A_174 : memref<96x576xf32, #tpu.memory_space<vmem>>) offsets(%dma_start3A_177 : memref<96xi32, #tpu.memory_space<vmem>>) semaphore(%arg7 : memref<!tpu.dma_semaphore, #tpu.memory_space<semaphore_mem>>)
    %dma_wait3A_181 = arith.constant 3 : i32
    %dma_wait3A_182 = arith.constant 1 : i32
    %dma_wait3A_183 = arith.constant 0 : i32
    %dma_wait3A_184 = arith.constant 0 : i32
    %dma_wait3A_185 = tpu.memref_slice %arg6[%dma_wait3A_182, %dma_wait3A_183, %dma_wait3A_184] : memref<2x96x576xf32, #tpu.memory_space<vmem>> -> memref<1x96x576xf32, #tpu.memory_space<vmem>>
    %dma_wait3A_186 = tpu.memref_squeeze %dma_wait3A_185 : memref<1x96x576xf32, #tpu.memory_space<vmem>> -> memref<96x576xf32, #tpu.memory_space<vmem>>
    %dma_wait3A_187 = arith.constant 0 : i32
    %dma_wait3A_188 = tpu.memref_slice %arg5[%dma_wait3A_181, %dma_wait3A_187] : memref<8x96xi32, #tpu.memory_space<vmem>> -> memref<1x96xi32, #tpu.memory_space<vmem>>
    %dma_wait3A_189 = tpu.memref_squeeze %dma_wait3A_188 : memref<1x96xi32, #tpu.memory_space<vmem>> -> memref<96xi32, #tpu.memory_space<vmem>>
    %dma_wait3A_190 = arith.constant 0 : i32
    %dma_wait3A_191 = arith.constant 0 : i32
    %dma_wait3A_192 = tpu.memref_slice %arg2[%dma_wait3A_190, %dma_wait3A_191] : memref<49152x576xf32, #tpu.memory_space<hbm>> -> memref<49152x576xf32, #tpu.memory_space<hbm>>
    tpu.wait_indirect_dma semaphore(%arg8 : memref<!tpu.dma_semaphore, #tpu.memory_space<semaphore_mem>>) src(%dma_wait3A_192 : memref<49152x576xf32, #tpu.memory_space<hbm>>) dst(%dma_wait3A_186 : memref<96x576xf32, #tpu.memory_space<vmem>>)
    %add3A_193 = arith.constant 288 : i32
    %add3A_194 = arith.addi %mul3A_2, %add3A_193 : i32
    %dma_start3A_195 = arith.constant 1 : i32
    %dma_start3A_196 = arith.constant 0 : i32
    %dma_start3A_197 = arith.constant 0 : i32
    %dma_start3A_198 = tpu.memref_slice %arg6[%dma_start3A_195, %dma_start3A_196, %dma_start3A_197] : memref<2x96x576xf32, #tpu.memory_space<vmem>> -> memref<1x96x576xf32, #tpu.memory_space<vmem>>
    %dma_start3A_199 = tpu.memref_squeeze %dma_start3A_198 : memref<1x96x576xf32, #tpu.memory_space<vmem>> -> memref<96x576xf32, #tpu.memory_space<vmem>>
    %dma_start3A_200 = arith.constant 0 : i32
    %dma_start3A_201 = tpu.memref_slice %arg4[%add3A_194, %dma_start3A_200] : memref<24576x576xf32, #tpu.memory_space<hbm>> -> memref<96x576xf32, #tpu.memory_space<hbm>>
    %dma_start3A_202 = arith.constant 0 : i32
    %dma_start3A_203 = tpu.memref_slice %arg4[%add3A_194, %dma_start3A_202] : memref<24576x576xf32, #tpu.memory_space<hbm>> -> memref<96x576xf32, #tpu.memory_space<hbm>>
    %dma_start3A_204 = arith.constant 0 : i32
    %dma_start3A_205 = arith.constant 0 : i32
    %dma_start3A_206 = tpu.memref_slice %arg6[%dma_start3A_195, %dma_start3A_204, %dma_start3A_205] : memref<2x96x576xf32, #tpu.memory_space<vmem>> -> memref<1x96x576xf32, #tpu.memory_space<vmem>>
    %dma_start3A_207 = tpu.memref_squeeze %dma_start3A_206 : memref<1x96x576xf32, #tpu.memory_space<vmem>> -> memref<96x576xf32, #tpu.memory_space<vmem>>
    tpu.enqueue_dma source(%dma_start3A_207 : memref<96x576xf32, #tpu.memory_space<vmem>>) target(%dma_start3A_203 : memref<96x576xf32, #tpu.memory_space<hbm>>) target_semaphore(%arg10 : memref<!tpu.dma_semaphore, #tpu.memory_space<semaphore_mem>>)
    %dma_wait3A_208 = arith.constant 1 : i32
    %dma_wait3A_209 = arith.constant 0 : i32
    %dma_wait3A_210 = arith.constant 0 : i32
    %dma_wait3A_211 = tpu.memref_slice %arg6[%dma_wait3A_208, %dma_wait3A_209, %dma_wait3A_210] : memref<2x96x576xf32, #tpu.memory_space<vmem>> -> memref<1x96x576xf32, #tpu.memory_space<vmem>>
    %dma_wait3A_212 = tpu.memref_squeeze %dma_wait3A_211 : memref<1x96x576xf32, #tpu.memory_space<vmem>> -> memref<96x576xf32, #tpu.memory_space<vmem>>
    %dma_wait3A_213 = arith.constant 0 : i32
    %dma_wait3A_214 = tpu.memref_slice %arg4[%add3A_194, %dma_wait3A_213] : memref<24576x576xf32, #tpu.memory_space<hbm>> -> memref<96x576xf32, #tpu.memory_space<hbm>>
    %dma_wait3A_215 = arith.constant 0 : i32
    %dma_wait3A_216 = tpu.memref_slice %arg4[%add3A_194, %dma_wait3A_215] : memref<24576x576xf32, #tpu.memory_space<hbm>> -> memref<96x576xf32, #tpu.memory_space<hbm>>
    %dma_wait3A_217 = arith.constant 0 : i32
    %dma_wait3A_218 = arith.constant 0 : i32
    %dma_wait3A_219 = tpu.memref_slice %arg6[%dma_wait3A_208, %dma_wait3A_217, %dma_wait3A_218] : memref<2x96x576xf32, #tpu.memory_space<vmem>> -> memref<1x96x576xf32, #tpu.memory_space<vmem>>
    %dma_wait3A_220 = tpu.memref_squeeze %dma_wait3A_219 : memref<1x96x576xf32, #tpu.memory_space<vmem>> -> memref<96x576xf32, #tpu.memory_space<vmem>>
    tpu.wait_dma2 semaphore(%arg10 : memref<!tpu.dma_semaphore, #tpu.memory_space<semaphore_mem>>) src(%dma_wait3A_220 : memref<96x576xf32, #tpu.memory_space<vmem>>) dst(%dma_wait3A_216 : memref<96x576xf32, #tpu.memory_space<hbm>>)
    %dma_start3A_221 = arith.constant 5 : i32
    %dma_start3A_222 = arith.constant 1 : i32
    %dma_start3A_223 = arith.constant 0 : i32
    %dma_start3A_224 = arith.constant 0 : i32
    %dma_start3A_225 = tpu.memref_slice %arg6[%dma_start3A_222, %dma_start3A_223, %dma_start3A_224] : memref<2x96x576xf32, #tpu.memory_space<vmem>> -> memref<1x96x576xf32, #tpu.memory_space<vmem>>
    %dma_start3A_226 = tpu.memref_squeeze %dma_start3A_225 : memref<1x96x576xf32, #tpu.memory_space<vmem>> -> memref<96x576xf32, #tpu.memory_space<vmem>>
    %dma_start3A_227 = arith.constant 0 : i32
    %dma_start3A_228 = tpu.memref_slice %arg5[%dma_start3A_221, %dma_start3A_227] : memref<8x96xi32, #tpu.memory_space<vmem>> -> memref<1x96xi32, #tpu.memory_space<vmem>>
    %dma_start3A_229 = tpu.memref_squeeze %dma_start3A_228 : memref<1x96xi32, #tpu.memory_space<vmem>> -> memref<96xi32, #tpu.memory_space<vmem>>
    %dma_start3A_230 = arith.constant 0 : i32
    %dma_start3A_231 = arith.constant 0 : i32
    %dma_start3A_232 = tpu.memref_slice %arg2[%dma_start3A_230, %dma_start3A_231] : memref<49152x576xf32, #tpu.memory_space<hbm>> -> memref<49152x576xf32, #tpu.memory_space<hbm>>
    tpu.enqueue_indirect_dma source(%dma_start3A_232 : memref<49152x576xf32, #tpu.memory_space<hbm>>) target(%dma_start3A_226 : memref<96x576xf32, #tpu.memory_space<vmem>>) offsets(%dma_start3A_229 : memref<96xi32, #tpu.memory_space<vmem>>) semaphore(%arg8 : memref<!tpu.dma_semaphore, #tpu.memory_space<semaphore_mem>>)
    %dma_wait3A_233 = arith.constant 4 : i32
    %dma_wait3A_234 = arith.constant 0 : i32
    %dma_wait3A_235 = arith.constant 0 : i32
    %dma_wait3A_236 = arith.constant 0 : i32
    %dma_wait3A_237 = tpu.memref_slice %arg6[%dma_wait3A_234, %dma_wait3A_235, %dma_wait3A_236] : memref<2x96x576xf32, #tpu.memory_space<vmem>> -> memref<1x96x576xf32, #tpu.memory_space<vmem>>
    %dma_wait3A_238 = tpu.memref_squeeze %dma_wait3A_237 : memref<1x96x576xf32, #tpu.memory_space<vmem>> -> memref<96x576xf32, #tpu.memory_space<vmem>>
    %dma_wait3A_239 = arith.constant 0 : i32
    %dma_wait3A_240 = tpu.memref_slice %arg5[%dma_wait3A_233, %dma_wait3A_239] : memref<8x96xi32, #tpu.memory_space<vmem>> -> memref<1x96xi32, #tpu.memory_space<vmem>>
    %dma_wait3A_241 = tpu.memref_squeeze %dma_wait3A_240 : memref<1x96xi32, #tpu.memory_space<vmem>> -> memref<96xi32, #tpu.memory_space<vmem>>
    %dma_wait3A_242 = arith.constant 0 : i32
    %dma_wait3A_243 = arith.constant 0 : i32
    %dma_wait3A_244 = tpu.memref_slice %arg2[%dma_wait3A_242, %dma_wait3A_243] : memref<49152x576xf32, #tpu.memory_space<hbm>> -> memref<49152x576xf32, #tpu.memory_space<hbm>>
    tpu.wait_indirect_dma semaphore(%arg7 : memref<!tpu.dma_semaphore, #tpu.memory_space<semaphore_mem>>) src(%dma_wait3A_244 : memref<49152x576xf32, #tpu.memory_space<hbm>>) dst(%dma_wait3A_238 : memref<96x576xf32, #tpu.memory_space<vmem>>)
    %add3A_245 = arith.constant 384 : i32
    %add3A_246 = arith.addi %mul3A_2, %add3A_245 : i32
    %dma_start3A_247 = arith.constant 0 : i32
    %dma_start3A_248 = arith.constant 0 : i32
    %dma_start3A_249 = arith.constant 0 : i32
    %dma_start3A_250 = tpu.memref_slice %arg6[%dma_start3A_247, %dma_start3A_248, %dma_start3A_249] : memref<2x96x576xf32, #tpu.memory_space<vmem>> -> memref<1x96x576xf32, #tpu.memory_space<vmem>>
    %dma_start3A_251 = tpu.memref_squeeze %dma_start3A_250 : memref<1x96x576xf32, #tpu.memory_space<vmem>> -> memref<96x576xf32, #tpu.memory_space<vmem>>
    %dma_start3A_252 = arith.constant 0 : i32
    %dma_start3A_253 = tpu.memref_slice %arg4[%add3A_246, %dma_start3A_252] : memref<24576x576xf32, #tpu.memory_space<hbm>> -> memref<96x576xf32, #tpu.memory_space<hbm>>
    %dma_start3A_254 = arith.constant 0 : i32
    %dma_start3A_255 = tpu.memref_slice %arg4[%add3A_246, %dma_start3A_254] : memref<24576x576xf32, #tpu.memory_space<hbm>> -> memref<96x576xf32, #tpu.memory_space<hbm>>
    %dma_start3A_256 = arith.constant 0 : i32
    %dma_start3A_257 = arith.constant 0 : i32
    %dma_start3A_258 = tpu.memref_slice %arg6[%dma_start3A_247, %dma_start3A_256, %dma_start3A_257] : memref<2x96x576xf32, #tpu.memory_space<vmem>> -> memref<1x96x576xf32, #tpu.memory_space<vmem>>
    %dma_start3A_259 = tpu.memref_squeeze %dma_start3A_258 : memref<1x96x576xf32, #tpu.memory_space<vmem>> -> memref<96x576xf32, #tpu.memory_space<vmem>>
    tpu.enqueue_dma source(%dma_start3A_259 : memref<96x576xf32, #tpu.memory_space<vmem>>) target(%dma_start3A_255 : memref<96x576xf32, #tpu.memory_space<hbm>>) target_semaphore(%arg9 : memref<!tpu.dma_semaphore, #tpu.memory_space<semaphore_mem>>)
    %dma_wait3A_260 = arith.constant 0 : i32
    %dma_wait3A_261 = arith.constant 0 : i32
    %dma_wait3A_262 = arith.constant 0 : i32
    %dma_wait3A_263 = tpu.memref_slice %arg6[%dma_wait3A_260, %dma_wait3A_261, %dma_wait3A_262] : memref<2x96x576xf32, #tpu.memory_space<vmem>> -> memref<1x96x576xf32, #tpu.memory_space<vmem>>
    %dma_wait3A_264 = tpu.memref_squeeze %dma_wait3A_263 : memref<1x96x576xf32, #tpu.memory_space<vmem>> -> memref<96x576xf32, #tpu.memory_space<vmem>>
    %dma_wait3A_265 = arith.constant 0 : i32
    %dma_wait3A_266 = tpu.memref_slice %arg4[%add3A_246, %dma_wait3A_265] : memref<24576x576xf32, #tpu.memory_space<hbm>> -> memref<96x576xf32, #tpu.memory_space<hbm>>
    %dma_wait3A_267 = arith.constant 0 : i32
    %dma_wait3A_268 = tpu.memref_slice %arg4[%add3A_246, %dma_wait3A_267] : memref<24576x576xf32, #tpu.memory_space<hbm>> -> memref<96x576xf32, #tpu.memory_space<hbm>>
    %dma_wait3A_269 = arith.constant 0 : i32
    %dma_wait3A_270 = arith.constant 0 : i32
    %dma_wait3A_271 = tpu.memref_slice %arg6[%dma_wait3A_260, %dma_wait3A_269, %dma_wait3A_270] : memref<2x96x576xf32, #tpu.memory_space<vmem>> -> memref<1x96x576xf32, #tpu.memory_space<vmem>>
    %dma_wait3A_272 = tpu.memref_squeeze %dma_wait3A_271 : memref<1x96x576xf32, #tpu.memory_space<vmem>> -> memref<96x576xf32, #tpu.memory_space<vmem>>
    tpu.wait_dma2 semaphore(%arg9 : memref<!tpu.dma_semaphore, #tpu.memory_space<semaphore_mem>>) src(%dma_wait3A_272 : memref<96x576xf32, #tpu.memory_space<vmem>>) dst(%dma_wait3A_268 : memref<96x576xf32, #tpu.memory_space<hbm>>)
    %dma_start3A_273 = arith.constant 6 : i32
    %dma_start3A_274 = arith.constant 0 : i32
    %dma_start3A_275 = arith.constant 0 : i32
    %dma_start3A_276 = arith.constant 0 : i32
    %dma_start3A_277 = tpu.memref_slice %arg6[%dma_start3A_274, %dma_start3A_275, %dma_start3A_276] : memref<2x96x576xf32, #tpu.memory_space<vmem>> -> memref<1x96x576xf32, #tpu.memory_space<vmem>>
    %dma_start3A_278 = tpu.memref_squeeze %dma_start3A_277 : memref<1x96x576xf32, #tpu.memory_space<vmem>> -> memref<96x576xf32, #tpu.memory_space<vmem>>
    %dma_start3A_279 = arith.constant 0 : i32
    %dma_start3A_280 = tpu.memref_slice %arg5[%dma_start3A_273, %dma_start3A_279] : memref<8x96xi32, #tpu.memory_space<vmem>> -> memref<1x96xi32, #tpu.memory_space<vmem>>
    %dma_start3A_281 = tpu.memref_squeeze %dma_start3A_280 : memref<1x96xi32, #tpu.memory_space<vmem>> -> memref<96xi32, #tpu.memory_space<vmem>>
    %dma_start3A_282 = arith.constant 0 : i32
    %dma_start3A_283 = arith.constant 0 : i32
    %dma_start3A_284 = tpu.memref_slice %arg2[%dma_start3A_282, %dma_start3A_283] : memref<49152x576xf32, #tpu.memory_space<hbm>> -> memref<49152x576xf32, #tpu.memory_space<hbm>>
    tpu.enqueue_indirect_dma source(%dma_start3A_284 : memref<49152x576xf32, #tpu.memory_space<hbm>>) target(%dma_start3A_278 : memref<96x576xf32, #tpu.memory_space<vmem>>) offsets(%dma_start3A_281 : memref<96xi32, #tpu.memory_space<vmem>>) semaphore(%arg7 : memref<!tpu.dma_semaphore, #tpu.memory_space<semaphore_mem>>)
    %dma_wait3A_285 = arith.constant 5 : i32
    %dma_wait3A_286 = arith.constant 1 : i32
    %dma_wait3A_287 = arith.constant 0 : i32
    %dma_wait3A_288 = arith.constant 0 : i32
    %dma_wait3A_289 = tpu.memref_slice %arg6[%dma_wait3A_286, %dma_wait3A_287, %dma_wait3A_288] : memref<2x96x576xf32, #tpu.memory_space<vmem>> -> memref<1x96x576xf32, #tpu.memory_space<vmem>>
    %dma_wait3A_290 = tpu.memref_squeeze %dma_wait3A_289 : memref<1x96x576xf32, #tpu.memory_space<vmem>> -> memref<96x576xf32, #tpu.memory_space<vmem>>
    %dma_wait3A_291 = arith.constant 0 : i32
    %dma_wait3A_292 = tpu.memref_slice %arg5[%dma_wait3A_285, %dma_wait3A_291] : memref<8x96xi32, #tpu.memory_space<vmem>> -> memref<1x96xi32, #tpu.memory_space<vmem>>
    %dma_wait3A_293 = tpu.memref_squeeze %dma_wait3A_292 : memref<1x96xi32, #tpu.memory_space<vmem>> -> memref<96xi32, #tpu.memory_space<vmem>>
    %dma_wait3A_294 = arith.constant 0 : i32
    %dma_wait3A_295 = arith.constant 0 : i32
    %dma_wait3A_296 = tpu.memref_slice %arg2[%dma_wait3A_294, %dma_wait3A_295] : memref<49152x576xf32, #tpu.memory_space<hbm>> -> memref<49152x576xf32, #tpu.memory_space<hbm>>
    tpu.wait_indirect_dma semaphore(%arg8 : memref<!tpu.dma_semaphore, #tpu.memory_space<semaphore_mem>>) src(%dma_wait3A_296 : memref<49152x576xf32, #tpu.memory_space<hbm>>) dst(%dma_wait3A_290 : memref<96x576xf32, #tpu.memory_space<vmem>>)
    %add3A_297 = arith.constant 480 : i32
    %add3A_298 = arith.addi %mul3A_2, %add3A_297 : i32
    %dma_start3A_299 = arith.constant 1 : i32
    %dma_start3A_300 = arith.constant 0 : i32
    %dma_start3A_301 = arith.constant 0 : i32
    %dma_start3A_302 = tpu.memref_slice %arg6[%dma_start3A_299, %dma_start3A_300, %dma_start3A_301] : memref<2x96x576xf32, #tpu.memory_space<vmem>> -> memref<1x96x576xf32, #tpu.memory_space<vmem>>
    %dma_start3A_303 = tpu.memref_squeeze %dma_start3A_302 : memref<1x96x576xf32, #tpu.memory_space<vmem>> -> memref<96x576xf32, #tpu.memory_space<vmem>>
    %dma_start3A_304 = arith.constant 0 : i32
    %dma_start3A_305 = tpu.memref_slice %arg4[%add3A_298, %dma_start3A_304] : memref<24576x576xf32, #tpu.memory_space<hbm>> -> memref<96x576xf32, #tpu.memory_space<hbm>>
    %dma_start3A_306 = arith.constant 0 : i32
    %dma_start3A_307 = tpu.memref_slice %arg4[%add3A_298, %dma_start3A_306] : memref<24576x576xf32, #tpu.memory_space<hbm>> -> memref<96x576xf32, #tpu.memory_space<hbm>>
    %dma_start3A_308 = arith.constant 0 : i32
    %dma_start3A_309 = arith.constant 0 : i32
    %dma_start3A_310 = tpu.memref_slice %arg6[%dma_start3A_299, %dma_start3A_308, %dma_start3A_309] : memref<2x96x576xf32, #tpu.memory_space<vmem>> -> memref<1x96x576xf32, #tpu.memory_space<vmem>>
    %dma_start3A_311 = tpu.memref_squeeze %dma_start3A_310 : memref<1x96x576xf32, #tpu.memory_space<vmem>> -> memref<96x576xf32, #tpu.memory_space<vmem>>
    tpu.enqueue_dma source(%dma_start3A_311 : memref<96x576xf32, #tpu.memory_space<vmem>>) target(%dma_start3A_307 : memref<96x576xf32, #tpu.memory_space<hbm>>) target_semaphore(%arg10 : memref<!tpu.dma_semaphore, #tpu.memory_space<semaphore_mem>>)
    %dma_wait3A_312 = arith.constant 1 : i32
    %dma_wait3A_313 = arith.constant 0 : i32
    %dma_wait3A_314 = arith.constant 0 : i32
    %dma_wait3A_315 = tpu.memref_slice %arg6[%dma_wait3A_312, %dma_wait3A_313, %dma_wait3A_314] : memref<2x96x576xf32, #tpu.memory_space<vmem>> -> memref<1x96x576xf32, #tpu.memory_space<vmem>>
    %dma_wait3A_316 = tpu.memref_squeeze %dma_wait3A_315 : memref<1x96x576xf32, #tpu.memory_space<vmem>> -> memref<96x576xf32, #tpu.memory_space<vmem>>
    %dma_wait3A_317 = arith.constant 0 : i32
    %dma_wait3A_318 = tpu.memref_slice %arg4[%add3A_298, %dma_wait3A_317] : memref<24576x576xf32, #tpu.memory_space<hbm>> -> memref<96x576xf32, #tpu.memory_space<hbm>>
    %dma_wait3A_319 = arith.constant 0 : i32
    %dma_wait3A_320 = tpu.memref_slice %arg4[%add3A_298, %dma_wait3A_319] : memref<24576x576xf32, #tpu.memory_space<hbm>> -> memref<96x576xf32, #tpu.memory_space<hbm>>
    %dma_wait3A_321 = arith.constant 0 : i32
    %dma_wait3A_322 = arith.constant 0 : i32
    %dma_wait3A_323 = tpu.memref_slice %arg6[%dma_wait3A_312, %dma_wait3A_321, %dma_wait3A_322] : memref<2x96x576xf32, #tpu.memory_space<vmem>> -> memref<1x96x576xf32, #tpu.memory_space<vmem>>
    %dma_wait3A_324 = tpu.memref_squeeze %dma_wait3A_323 : memref<1x96x576xf32, #tpu.memory_space<vmem>> -> memref<96x576xf32, #tpu.memory_space<vmem>>
    tpu.wait_dma2 semaphore(%arg10 : memref<!tpu.dma_semaphore, #tpu.memory_space<semaphore_mem>>) src(%dma_wait3A_324 : memref<96x576xf32, #tpu.memory_space<vmem>>) dst(%dma_wait3A_320 : memref<96x576xf32, #tpu.memory_space<hbm>>)
    %dma_start3A_325 = arith.constant 7 : i32
    %dma_start3A_326 = arith.constant 1 : i32
    %dma_start3A_327 = arith.constant 0 : i32
    %dma_start3A_328 = arith.constant 0 : i32
    %dma_start3A_329 = tpu.memref_slice %arg6[%dma_start3A_326, %dma_start3A_327, %dma_start3A_328] : memref<2x96x576xf32, #tpu.memory_space<vmem>> -> memref<1x96x576xf32, #tpu.memory_space<vmem>>
    %dma_start3A_330 = tpu.memref_squeeze %dma_start3A_329 : memref<1x96x576xf32, #tpu.memory_space<vmem>> -> memref<96x576xf32, #tpu.memory_space<vmem>>
    %dma_start3A_331 = arith.constant 0 : i32
    %dma_start3A_332 = tpu.memref_slice %arg5[%dma_start3A_325, %dma_start3A_331] : memref<8x96xi32, #tpu.memory_space<vmem>> -> memref<1x96xi32, #tpu.memory_space<vmem>>
    %dma_start3A_333 = tpu.memref_squeeze %dma_start3A_332 : memref<1x96xi32, #tpu.memory_space<vmem>> -> memref<96xi32, #tpu.memory_space<vmem>>
    %dma_start3A_334 = arith.constant 0 : i32
    %dma_start3A_335 = arith.constant 0 : i32
    %dma_start3A_336 = tpu.memref_slice %arg2[%dma_start3A_334, %dma_start3A_335] : memref<49152x576xf32, #tpu.memory_space<hbm>> -> memref<49152x576xf32, #tpu.memory_space<hbm>>
    tpu.enqueue_indirect_dma source(%dma_start3A_336 : memref<49152x576xf32, #tpu.memory_space<hbm>>) target(%dma_start3A_330 : memref<96x576xf32, #tpu.memory_space<vmem>>) offsets(%dma_start3A_333 : memref<96xi32, #tpu.memory_space<vmem>>) semaphore(%arg8 : memref<!tpu.dma_semaphore, #tpu.memory_space<semaphore_mem>>)
    %dma_wait3A_337 = arith.constant 6 : i32
    %dma_wait3A_338 = arith.constant 0 : i32
    %dma_wait3A_339 = arith.constant 0 : i32
    %dma_wait3A_340 = arith.constant 0 : i32
    %dma_wait3A_341 = tpu.memref_slice %arg6[%dma_wait3A_338, %dma_wait3A_339, %dma_wait3A_340] : memref<2x96x576xf32, #tpu.memory_space<vmem>> -> memref<1x96x576xf32, #tpu.memory_space<vmem>>
    %dma_wait3A_342 = tpu.memref_squeeze %dma_wait3A_341 : memref<1x96x576xf32, #tpu.memory_space<vmem>> -> memref<96x576xf32, #tpu.memory_space<vmem>>
    %dma_wait3A_343 = arith.constant 0 : i32
    %dma_wait3A_344 = tpu.memref_slice %arg5[%dma_wait3A_337, %dma_wait3A_343] : memref<8x96xi32, #tpu.memory_space<vmem>> -> memref<1x96xi32, #tpu.memory_space<vmem>>
    %dma_wait3A_345 = tpu.memref_squeeze %dma_wait3A_344 : memref<1x96xi32, #tpu.memory_space<vmem>> -> memref<96xi32, #tpu.memory_space<vmem>>
    %dma_wait3A_346 = arith.constant 0 : i32
    %dma_wait3A_347 = arith.constant 0 : i32
    %dma_wait3A_348 = tpu.memref_slice %arg2[%dma_wait3A_346, %dma_wait3A_347] : memref<49152x576xf32, #tpu.memory_space<hbm>> -> memref<49152x576xf32, #tpu.memory_space<hbm>>
    tpu.wait_indirect_dma semaphore(%arg7 : memref<!tpu.dma_semaphore, #tpu.memory_space<semaphore_mem>>) src(%dma_wait3A_348 : memref<49152x576xf32, #tpu.memory_space<hbm>>) dst(%dma_wait3A_342 : memref<96x576xf32, #tpu.memory_space<vmem>>)
    %add3A_349 = arith.constant 576 : i32
    %add3A_350 = arith.addi %mul3A_2, %add3A_349 : i32
    %dma_start3A_351 = arith.constant 0 : i32
    %dma_start3A_352 = arith.constant 0 : i32
    %dma_start3A_353 = arith.constant 0 : i32
    %dma_start3A_354 = tpu.memref_slice %arg6[%dma_start3A_351, %dma_start3A_352, %dma_start3A_353] : memref<2x96x576xf32, #tpu.memory_space<vmem>> -> memref<1x96x576xf32, #tpu.memory_space<vmem>>
    %dma_start3A_355 = tpu.memref_squeeze %dma_start3A_354 : memref<1x96x576xf32, #tpu.memory_space<vmem>> -> memref<96x576xf32, #tpu.memory_space<vmem>>
    %dma_start3A_356 = arith.constant 0 : i32
    %dma_start3A_357 = tpu.memref_slice %arg4[%add3A_350, %dma_start3A_356] : memref<24576x576xf32, #tpu.memory_space<hbm>> -> memref<96x576xf32, #tpu.memory_space<hbm>>
    %dma_start3A_358 = arith.constant 0 : i32
    %dma_start3A_359 = tpu.memref_slice %arg4[%add3A_350, %dma_start3A_358] : memref<24576x576xf32, #tpu.memory_space<hbm>> -> memref<96x576xf32, #tpu.memory_space<hbm>>
    %dma_start3A_360 = arith.constant 0 : i32
    %dma_start3A_361 = arith.constant 0 : i32
    %dma_start3A_362 = tpu.memref_slice %arg6[%dma_start3A_351, %dma_start3A_360, %dma_start3A_361] : memref<2x96x576xf32, #tpu.memory_space<vmem>> -> memref<1x96x576xf32, #tpu.memory_space<vmem>>
    %dma_start3A_363 = tpu.memref_squeeze %dma_start3A_362 : memref<1x96x576xf32, #tpu.memory_space<vmem>> -> memref<96x576xf32, #tpu.memory_space<vmem>>
    tpu.enqueue_dma source(%dma_start3A_363 : memref<96x576xf32, #tpu.memory_space<vmem>>) target(%dma_start3A_359 : memref<96x576xf32, #tpu.memory_space<hbm>>) target_semaphore(%arg9 : memref<!tpu.dma_semaphore, #tpu.memory_space<semaphore_mem>>)
    %dma_wait3A_364 = arith.constant 7 : i32
    %dma_wait3A_365 = arith.constant 1 : i32
    %dma_wait3A_366 = arith.constant 0 : i32
    %dma_wait3A_367 = arith.constant 0 : i32
    %dma_wait3A_368 = tpu.memref_slice %arg6[%dma_wait3A_365, %dma_wait3A_366, %dma_wait3A_367] : memref<2x96x576xf32, #tpu.memory_space<vmem>> -> memref<1x96x576xf32, #tpu.memory_space<vmem>>
    %dma_wait3A_369 = tpu.memref_squeeze %dma_wait3A_368 : memref<1x96x576xf32, #tpu.memory_space<vmem>> -> memref<96x576xf32, #tpu.memory_space<vmem>>
    %dma_wait3A_370 = arith.constant 0 : i32
    %dma_wait3A_371 = tpu.memref_slice %arg5[%dma_wait3A_364, %dma_wait3A_370] : memref<8x96xi32, #tpu.memory_space<vmem>> -> memref<1x96xi32, #tpu.memory_space<vmem>>
    %dma_wait3A_372 = tpu.memref_squeeze %dma_wait3A_371 : memref<1x96xi32, #tpu.memory_space<vmem>> -> memref<96xi32, #tpu.memory_space<vmem>>
    %dma_wait3A_373 = arith.constant 0 : i32
    %dma_wait3A_374 = arith.constant 0 : i32
    %dma_wait3A_375 = tpu.memref_slice %arg2[%dma_wait3A_373, %dma_wait3A_374] : memref<49152x576xf32, #tpu.memory_space<hbm>> -> memref<49152x576xf32, #tpu.memory_space<hbm>>
    tpu.wait_indirect_dma semaphore(%arg8 : memref<!tpu.dma_semaphore, #tpu.memory_space<semaphore_mem>>) src(%dma_wait3A_375 : memref<49152x576xf32, #tpu.memory_space<hbm>>) dst(%dma_wait3A_369 : memref<96x576xf32, #tpu.memory_space<vmem>>)
    %add3A_376 = arith.constant 672 : i32
    %add3A_377 = arith.addi %mul3A_2, %add3A_376 : i32
    %dma_start3A_378 = arith.constant 1 : i32
    %dma_start3A_379 = arith.constant 0 : i32
    %dma_start3A_380 = arith.constant 0 : i32
    %dma_start3A_381 = tpu.memref_slice %arg6[%dma_start3A_378, %dma_start3A_379, %dma_start3A_380] : memref<2x96x576xf32, #tpu.memory_space<vmem>> -> memref<1x96x576xf32, #tpu.memory_space<vmem>>
    %dma_start3A_382 = tpu.memref_squeeze %dma_start3A_381 : memref<1x96x576xf32, #tpu.memory_space<vmem>> -> memref<96x576xf32, #tpu.memory_space<vmem>>
    %dma_start3A_383 = arith.constant 0 : i32
    %dma_start3A_384 = tpu.memref_slice %arg4[%add3A_377, %dma_start3A_383] : memref<24576x576xf32, #tpu.memory_space<hbm>> -> memref<96x576xf32, #tpu.memory_space<hbm>>
    %dma_start3A_385 = arith.constant 0 : i32
    %dma_start3A_386 = tpu.memref_slice %arg4[%add3A_377, %dma_start3A_385] : memref<24576x576xf32, #tpu.memory_space<hbm>> -> memref<96x576xf32, #tpu.memory_space<hbm>>
    %dma_start3A_387 = arith.constant 0 : i32
    %dma_start3A_388 = arith.constant 0 : i32
    %dma_start3A_389 = tpu.memref_slice %arg6[%dma_start3A_378, %dma_start3A_387, %dma_start3A_388] : memref<2x96x576xf32, #tpu.memory_space<vmem>> -> memref<1x96x576xf32, #tpu.memory_space<vmem>>
    %dma_start3A_390 = tpu.memref_squeeze %dma_start3A_389 : memref<1x96x576xf32, #tpu.memory_space<vmem>> -> memref<96x576xf32, #tpu.memory_space<vmem>>
    tpu.enqueue_dma source(%dma_start3A_390 : memref<96x576xf32, #tpu.memory_space<vmem>>) target(%dma_start3A_386 : memref<96x576xf32, #tpu.memory_space<hbm>>) target_semaphore(%arg10 : memref<!tpu.dma_semaphore, #tpu.memory_space<semaphore_mem>>)
    %dma_wait3A_391 = arith.constant 0 : i32
    %dma_wait3A_392 = arith.constant 0 : i32
    %dma_wait3A_393 = arith.constant 0 : i32
    %dma_wait3A_394 = tpu.memref_slice %arg6[%dma_wait3A_391, %dma_wait3A_392, %dma_wait3A_393] : memref<2x96x576xf32, #tpu.memory_space<vmem>> -> memref<1x96x576xf32, #tpu.memory_space<vmem>>
    %dma_wait3A_395 = tpu.memref_squeeze %dma_wait3A_394 : memref<1x96x576xf32, #tpu.memory_space<vmem>> -> memref<96x576xf32, #tpu.memory_space<vmem>>
    %dma_wait3A_396 = arith.constant 0 : i32
    %dma_wait3A_397 = tpu.memref_slice %arg4[%add3A_350, %dma_wait3A_396] : memref<24576x576xf32, #tpu.memory_space<hbm>> -> memref<96x576xf32, #tpu.memory_space<hbm>>
    %dma_wait3A_398 = arith.constant 0 : i32
    %dma_wait3A_399 = tpu.memref_slice %arg4[%add3A_350, %dma_wait3A_398] : memref<24576x576xf32, #tpu.memory_space<hbm>> -> memref<96x576xf32, #tpu.memory_space<hbm>>
    %dma_wait3A_400 = arith.constant 0 : i32
    %dma_wait3A_401 = arith.constant 0 : i32
    %dma_wait3A_402 = tpu.memref_slice %arg6[%dma_wait3A_391, %dma_wait3A_400, %dma_wait3A_401] : memref<2x96x576xf32, #tpu.memory_space<vmem>> -> memref<1x96x576xf32, #tpu.memory_space<vmem>>
    %dma_wait3A_403 = tpu.memref_squeeze %dma_wait3A_402 : memref<1x96x576xf32, #tpu.memory_space<vmem>> -> memref<96x576xf32, #tpu.memory_space<vmem>>
    tpu.wait_dma2 semaphore(%arg9 : memref<!tpu.dma_semaphore, #tpu.memory_space<semaphore_mem>>) src(%dma_wait3A_403 : memref<96x576xf32, #tpu.memory_space<vmem>>) dst(%dma_wait3A_399 : memref<96x576xf32, #tpu.memory_space<hbm>>)
    %dma_wait3A_404 = arith.constant 1 : i32
    %dma_wait3A_405 = arith.constant 0 : i32
    %dma_wait3A_406 = arith.constant 0 : i32
    %dma_wait3A_407 = tpu.memref_slice %arg6[%dma_wait3A_404, %dma_wait3A_405, %dma_wait3A_406] : memref<2x96x576xf32, #tpu.memory_space<vmem>> -> memref<1x96x576xf32, #tpu.memory_space<vmem>>
    %dma_wait3A_408 = tpu.memref_squeeze %dma_wait3A_407 : memref<1x96x576xf32, #tpu.memory_space<vmem>> -> memref<96x576xf32, #tpu.memory_space<vmem>>
    %dma_wait3A_409 = arith.constant 0 : i32
    %dma_wait3A_410 = tpu.memref_slice %arg4[%add3A_377, %dma_wait3A_409] : memref<24576x576xf32, #tpu.memory_space<hbm>> -> memref<96x576xf32, #tpu.memory_space<hbm>>
    %dma_wait3A_411 = arith.constant 0 : i32
    %dma_wait3A_412 = tpu.memref_slice %arg4[%add3A_377, %dma_wait3A_411] : memref<24576x576xf32, #tpu.memory_space<hbm>> -> memref<96x576xf32, #tpu.memory_space<hbm>>
    %dma_wait3A_413 = arith.constant 0 : i32
    %dma_wait3A_414 = arith.constant 0 : i32
    %dma_wait3A_415 = tpu.memref_slice %arg6[%dma_wait3A_404, %dma_wait3A_413, %dma_wait3A_414] : memref<2x96x576xf32, #tpu.memory_space<vmem>> -> memref<1x96x576xf32, #tpu.memory_space<vmem>>
    %dma_wait3A_416 = tpu.memref_squeeze %dma_wait3A_415 : memref<1x96x576xf32, #tpu.memory_space<vmem>> -> memref<96x576xf32, #tpu.memory_space<vmem>>
    tpu.wait_dma2 semaphore(%arg10 : memref<!tpu.dma_semaphore, #tpu.memory_space<semaphore_mem>>) src(%dma_wait3A_416 : memref<96x576xf32, #tpu.memory_space<vmem>>) dst(%dma_wait3A_412 : memref<96x576xf32, #tpu.memory_space<hbm>>)
    return
  }
}

</mosaic_0001>

<sc_bundles>
// kernel: kernel.3.cloned.1.call-start
scs
__scs_entry_jumppad:
0x0: {  	(pc) =	sbr.rel $0x88, $3  }
0x1: {  	(tag) =	ssettag $0x0;
	lr =	simm.s32 $0x1  }
0x2: {  	[smem:$0x3FA0] =	sst lr;
	_ =	strace $0xD0000000  }
0x3: {  	_ = 	snop  }
0x4: {  	_ = 	snop  }
0x5: {  	_ = 	snop  }
0x6: {  	_ = 	snop  }
0x7: {  	_ = 	snop  }
__scs_overlays_trampoline_lowered:
0x8: {  	[smem:$0x3FAF] =	sst s0  }
0x9: {  	[smem:$0x3FB0] =	sst s1  }
0xa: {  	[smem:$0x3FB1] =	sst s2  }
0xb: {  	[smem:$0x3FB2] =	sst s3  }
0xc: {  	[smem:$0x3FB3] =	sst s4  }
0xd: {  	[smem:$0x3FB4] =	sst s5  }
0xe: {  	[smem:$0x3FB5] =	sst s6  }
0xf: {  	[smem:$0x3FB6] =	sst s7  }
0x10: {  	[smem:$0x3FB7] =	sst s8  }
0x11: {  	[smem:$0x3FB8] =	sst s9;
	s0 =	simm.s32 @!p0 $0x0  }
0x12: {  	s1 =	sld [smem:$0x3F9E];
	s0 =	simm.s32 @p0 $0x1  }
0x13: {  	[smem:$0x3FB9] =	sst s0;
	s0 =	simm.s32 @!p1 $0x0  }
0x14: {  	s2 =	sld [smem:$0x3F9D];
	s0 =	simm.s32 @p1 $0x1  }
0x15: {  	[smem:$0x3FBA] =	sst s0;
	s0 =	simm.s32 @!p2 $0x0  }
0x16: {  	s3 =	sld [smem:$0x3FDB];
	s0 =	simm.s32 @p2 $0x1  }
0x17: {  	s4 =	simm.s32 $0x1BF5;
	[smem:$0x3FBC] =	sst s0  }
0x18: {  	s0 =	sld [smem:$0x3F9F];
	_ =	swait.ge [sflag:s4], $0x0  }
0x19: {  	s7 =	sld [smem:$0x3FA0]  }
0x1a: {  	s8 =	sadd.s32 $0xFFFFE003, lr  }
0x1b: {  	s9 =	sadd.s32 $0xFFFFFEF7, lr;
	s5 =	simm.s32 $0xFFFFFFFF;
	p2 =	slt.u32 s8, $0xFFFFF086  }
0x1c: {  	p1 =	slt.u32 s9, $0xF7A;
	s5 =	simm.s32 @!p2 $0x0  }
0x1d: {  	s5 =	simm.s32 @p1 $0x1;
	p0 =	seq.s32 s7, s2  }
0x1e: {  	s7 =	smul.u32 @!p0 $0xF7A, s2;
	p2 =	seq.s32 @!p0 s5, $0x0  }
0x1f: {  	s9 =	smul.u32 $0xF7A, s1;
	s8 =	simm.s32 @!p0 $0x1BF5;
	p2 =	por !p2, p0  }
0x20: {  	[sflag:s8] =	ssyncset.s32 @!p0 $0xFFFFF086;
	s6 =	sadd.s32 @!p0 s3, s7;
	s7 =	simm.s32 @!p0 $0x108  }
0x21: {  	s3 =	sadd.s32 s3, s9;
	s6 =	sadd.s32 @!p0 $0x88, s6;
	s7 =	simm.s32 @p2 $0x1082  }
0x22: {  	[simem:s7], [sflag:s8] =	dma.local @!p0 [hbm:s6], $0xF7A  }
0x23: {  	s9 =	sor.u32 $0xD0000000, s2;
	s6 =	simm.s32 $0x108;
	_ =	swait.ge @!p0 [sflag:s8], $0x0  }
0x24: {  	s3 =	sadd.s32 $0x88, s3;
	s6 =	simm.s32 @!p1 $0x1082;
	[sflag:s4] =	ssyncset.s32 $0xFFFFF086  }
0x25: {  	[simem:s6], [sflag:s4] =	dma.local [hbm:s3], $0xF7A  }
0x26: {  	[smem:$0x3FA0] =	sst s1;
	(tag) =	ssettag s2;
	_ =	strace s9  }
0x27: {  	s1 =	sld [smem:$0x3FB0]  }
0x28: {  	s2 =	sld [smem:$0x3FB1]  }
0x29: {  	s4 =	sld [smem:$0x3FB3]  }
0x2a: {  	p0 =	seq.s32 s5, $0x0;
	s5 =	sld [smem:$0x3FB4]  }
0x2b: {  	s6 =	sld [smem:$0x3FB5]  }
0x2c: {  	s7 =	sld [smem:$0x3FB6]  }
0x2d: {  	s3 =	simm.s32 $0x108;
	s8 =	sld [smem:$0x3FB7]  }
0x2e: {  	s3 =	simm.s32 @!p0 $0x1082;
	s9 =	sld [smem:$0x3FB8]  }
0x2f: {  	lr =	sadd.s32 s0, s3;
	s0 =	sld [smem:$0x3FAF]  }
0x30: {  	s3 =	sld [smem:$0x3FB2]  }
0x31: {  	[smem:$0x3FBB] =	sst s10  }
0x32: {  	s10 =	sld [smem:$0x3FB9];
	_ =	sdelay $0x3  }
0x33: {  	p0 =	seq.s32 s10, $0x1;
	s10 =	sld [smem:$0x3FBB];
	_ =	sdelay $0x3  }
0x34: {  	[smem:$0x3FBB] =	sst s10  }
0x35: {  	s10 =	sld [smem:$0x3FBA];
	_ =	sdelay $0x3  }
0x36: {  	p1 =	seq.s32 s10, $0x1;
	s10 =	sld [smem:$0x3FBB];
	_ =	sdelay $0x3  }
0x37: {  	[smem:$0x3FBB] =	sst s10  }
0x38: {  	s10 =	sld [smem:$0x3FBC]  }
0x39: {  	_ = 	snop;
	(pc) =	sbr.ind lr, $3  }
0x3a: {  	_ = 	snop  }
0x3b: {  	_ = 	snop  }
0x3c: {  	p2 =	seq.s32 s10, $0x1;
	s10 =	sld [smem:$0x3FBB]  }
0x3d: {  	_ =	shalt  }
0x3e: {  	_ =	shalt  }
0x3f: {  	_ =	shalt  }
0x40: {  	_ =	shalt  }
0x41: {  	_ =	shalt  }
0x42: {  	_ =	shalt  }
0x43: {  	_ =	shalt  }
0x44: {  	_ =	shalt  }
0x45: {  	_ =	shalt  }
0x46: {  	_ =	shalt  }
0x47: {  	_ =	shalt  }
0x48: {  	_ =	shalt  }
0x49: {  	_ =	shalt  }
0x4a: {  	_ =	shalt  }
0x4b: {  	_ =	shalt  }
0x4c: {  	_ =	shalt  }
0x4d: {  	_ =	shalt  }
0x4e: {  	_ =	shalt  }
0x4f: {  	_ =	shalt  }
0x50: {  	_ =	shalt  }
0x51: {  	_ =	shalt  }
0x52: {  	_ =	shalt  }
0x53: {  	_ =	shalt  }
0x54: {  	_ =	shalt  }
0x55: {  	_ =	shalt  }
0x56: {  	_ =	shalt  }
0x57: {  	_ =	shalt  }
0x58: {  	_ =	shalt  }
0x59: {  	_ =	shalt  }
0x5a: {  	_ =	shalt  }
0x5b: {  	_ =	shalt  }
0x5c: {  	_ =	shalt  }
0x5d: {  	_ =	shalt  }
0x5e: {  	_ =	shalt  }
0x5f: {  	_ =	shalt  }
0x60: {  	_ =	shalt  }
0x61: {  	_ =	shalt  }
0x62: {  	_ =	shalt  }
0x63: {  	_ =	shalt  }
0x64: {  	_ =	shalt  }
0x65: {  	_ =	shalt  }
0x66: {  	_ =	shalt  }
0x67: {  	_ =	shalt  }
0x68: {  	_ =	shalt  }
0x69: {  	_ =	shalt  }
0x6a: {  	_ =	shalt  }
0x6b: {  	_ =	shalt  }
0x6c: {  	_ =	shalt  }
0x6d: {  	_ =	shalt  }
0x6e: {  	_ =	shalt  }
0x6f: {  	_ =	shalt  }
0x70: {  	_ =	shalt  }
0x71: {  	_ =	shalt  }
0x72: {  	_ =	shalt  }
0x73: {  	_ =	shalt  }
0x74: {  	_ =	shalt  }
0x75: {  	_ =	shalt  }
0x76: {  	_ =	shalt  }
0x77: {  	_ =	shalt  }
0x78: {  	_ =	shalt  }
0x79: {  	_ =	shalt  }
0x7a: {  	_ =	shalt  }
0x7b: {  	_ =	shalt  }
0x7c: {  	_ =	shalt  }
0x7d: {  	_ =	shalt  }
0x7e: {  	_ =	shalt  }
0x7f: {  	_ =	shalt  }
0x80: {  	_ =	shalt  }
0x81: {  	_ =	shalt  }
0x82: {  	_ =	shalt  }
0x83: {  	_ =	shalt  }
0x84: {  	_ =	shalt  }
0x85: {  	_ =	shalt  }
0x86: {  	_ =	shalt  }
0x87: {  	_ =	shalt  }
.Lfunc_end0:
.L_simem_size_0:
called_computation.5_lowered:
.L_overlay_start_0:
0x88: {  	s2 =	sld [smem:$0x3FD9]  }
0x89: {  	s3 =	sld [smem:$0x3FFE];
	_ =	sdelay $0x1  }
0x8a: {  	s1 =	srdreg.scid  }
0x8b: {  	s0 =	sand.u32 $0x1, s1  }
0x8c: {  	s17 =	sshll.u32 s0, $0xA;
	s2 =	sadd.s32 s3, s2  }
0x8d: {  	s2 =	sadd.s32 s2, s17  }
0x8e: {  	[smem:$0x3FC7] =	sst s2  }
0x8f: {  	_ = 	snop  }
0x90: {  	s2 =	sld [smem:$0x3FD0];
	(tm) =	ssettm $0x1  }
0x91: {  	s18 =	sld [smem:$0x3FFB];
	_ =	sdelay $0x3  }
0x92: {  	_ =	strace s18  }
0x93: {  	s3 =	sld [smem:$0x3FFC];
	_ =	sdelay $0x3  }
0x94: {  	_ =	strace s3  }
0x95: {  	s3 =	sld [smem:$0x3FFD];
	_ =	sdelay $0x3  }
0x96: {  	_ =	strace s3  }
0x97: {  	_ =	strace $0x8FFFFFFF  }
0x98: {  	s19 =	sld [smem:$0x3FDB];
	_ =	sdelay $0x1  }
0x99: {  	s4 =	simm.s32 $_scs_section_size  }
0x9a: {  	s5 =	simm.s32 $_size__tile_overlayer_lowered;
	s6 =	simm.s32 $_tile_overlayer_lowered  }
0x9b: {  	s22 =	simm.s32 $0x1BFF;
	s21 =	sshll.u32 s6, $0x1;
	s3 =	sadd.s32 s4, s19  }
0x9c: {  	s7 =	simm.s32 $0x0;
	s20 =	sshll.u32 s5, $0x1;
	s5 =	sadd.s32 s21, s3  }
0x9d: {  	[timem:s7], [sflag:s22] =	dma.local [hbm:s5], s20  }
0x9e: {  	_ =	swait.ge [sflag:s22], s20  }
0x9f: {  	s4 =	ssub.s32 $0x0, s20;
	[sflag:s22] =	ssyncset.done $0x0  }
0xa0: {  	[sflag:s22] =	ssyncadd.s32 s4;
	_ =	sdelay $0x1  }
0xa1: {  	s23 =	simm.s32 $0x1B8B  }
0xa2: {  	_ =	swait.ge [sflag:s23], $0x1  }
0xa3: {  	[sflag:s23] =	ssyncset.done $0x0  }
0xa4: {  	s25 =	simm.s32 $0x1B8E;
	s24 =	sld [smem:$0x3FFE];
	[sflag:s23] =	ssyncadd.s32 $0xFFFFFFFF  }
0xa5: {  	s26 =	simm.s32 $execute0_lowered;
	[smem:$0x3FD2] =	sst s25  }
0xa6: {  	s5 =	sshll.u32 s26, $0x1;
	_ =	strace $0x8000004C;
	[dreg:$0x1] =	wrdreg $0xFFFFFFFF  }
0xa7: {  	s28 =	simm.s32 $_size_execute0_lowered;
	s3 =	sadd.s32 s3, s5;
	[dreg:$0x0] =	wrdreg $0x0  }
0xa8: {  	s5 =	sshll.u32 s28, $0x1;
	[dreg:$0x2] =	wrdreg s3  }
0xa9: {  	[dreg:$0x3] =	wrdreg s5  }
0xaa: {  	[dreg:$0x4] =	wrdreg $0xC0  }
0xab: {  	_ =	task [dreg:s7], $0x5FFFF  }
0xac: {  	[dreg:$0x1] =	wrdreg $0xFFFFFFFF  }
0xad: {  	[dreg:$0x0] =	wrdreg $0x60  }
0xae: {  	[dreg:$0x2] =	wrdreg s24  }
0xaf: {  	[dreg:$0x3] =	wrdreg s2  }
0xb0: {  	[dreg:$0x4] =	wrdreg $0x9  }
0xb1: {  	_ =	task.clear_ibuf [dreg:s7], $0x5FFFF;
	_ =	strace $0x9000004C  }
0xb2: {  	s29 =	simm.s32 $0x9;
	_ =	strace $0x8000004E  }
0xb3: {  	_ =	swait.ge [sflag:s29], $0x1  }
0xb4: {  	[sflag:s29] =	ssyncadd.s32 $0xFFFFFFFF  }
0xb5: {  	_ =	strace $0x9000004E  }
0xb6: {  	_ =	sfence  }
0xb7: {  	s30 =	sld [smem:$0x0];
	_ =	sdelay $0x2  }
0xb8: {  	s31 =	sshll.u32 s1, $0xD;
	s1 =	sshrl.u32 s1, $0x2  }
0xb9: {  	s3 =	sand.u32 $0x4000, s31;
	s1 =	sadd.s32 s1, s30  }
0xba: {  	s0 =	sor.u32 s3, s0;
	s1 =	sshll.u32 s1, $0x11  }
0xbb: {  	s0 =	sor.u32 s1, s0  }
0xbc: {  	s0 =	sadd.s32 $0x8F2B, s0  }
0xbd: {  	[sflag:s0] =	ssyncadd.remote.s32 $0x1  }
0xbe: {  	_ =	sfence.sel $0xFFFF  }
0xbf: {  	[dreg:$0x0] =	wrdreg $0xFFFFFFFF;
	(pc) =	sbr.abs _section_cstart, $3  }
0xc0: {  	[dreg:$0x1] =	wrdreg $0xFFFFFFFF  }
0xc1: {  	_ =	task.clear_ibuf [dreg:s7], $0x2FFFF;
	_ =	strace $0x9FFFFFFF  }
0xc2: {  	(tm) =	ssettm $0x7FFFFFFF  }
0xc3: {  	_ =	shalt  }
tec
execute0_lowered:
.L_overlay_start_1:
0x0: {  	(tag) =	ssettag $0x1  }
0x1: {  	s1 =	srdreg.scid;
	s0 =	stileid.u32  }
0x2: {  	s26 =	sand.u32 $0x1, s1;
	s31 =	sshll.u32 s0, $0x1  }
0x3: {  	s12 =	sor.u32 s26, s31  }
0x4: {  	s5 =	rddreg [dreg:$0x0];
	s3 =	smul.u32 $0x60, s12  }
0x5: {  	s14 =	rddreg [dreg:$0x1];
	s2 =	simm.s32 $0x0  }
0x6: {  	s4 =	simm.s32 $0x5;
	[smem:$0x7FF] =	sst s2;
	s3 =	sadd.s32 s3, s5  }
0x7: {  	s1 =	rddreg [dreg:$0x2];
	_ =	strace $0x8000004D;
	s3 =	sadd.s32 $0x1A00, s3  }
0x8: {  	[tilespmem:s2], [sflag:$0x5] =	stream.linear.gather [hbm4b:s3+s2], $0x300, $0x38;
	[tilespmem:$0x1B300] =	vst v63  }
0x9: {  	_ =	swait.ge [sflag:s4], $0x300  }
0xa: {  	s6 =	simm.s32 $0x60;
	[sflag:s4] =	ssyncset.done $0x0  }
0xb: {  	s7 =	simm.s32 $0x300;
	s5 =	sadd.s32 $0x2600, s5;
	[sflag:s4] =	ssyncadd.s32 $0xFFFFFD00  }
0xc: {  	[tilespmem:s7], [sflag:$0x1] =	stream.indirect.gather [hbm4b:s5+s6], $0x240, s2, s6, $0xb8;
	[tilespmem:$0x1B300] =	vst v63  }
0xd: {  	s8 =	simm.s32 $0xDB00;
	s9 =	simm.s32 $0x1  }
0xe: {  	[tilespmem:s8], [sflag:$0x2] =	stream.indirect.gather [hbm4b:s5+s6], $0x240, s6, s6, $0xb8;
	[tilespmem:$0x1B300] =	vst v63  }
0xf: {  	s10 =	smul.u32 $0xD800, s12;
	_ =	swait.ge [sflag:s9], $0xD800  }
0x10: {  	[sflag:s9] =	ssyncset.done $0x0  }
0x11: {  	s11 =	simm.s32 $0x3;
	s10 =	sadd.s32 s14, s10;
	[sflag:s9] =	ssyncadd.s32 $0xFFFF2800  }
0x12: {  	[hbm4b:s10+s2] =	stream.linear.scatter [tilespmem:s7], [sflag:$0x3], $0xD800, $0x38;
	[tilespmem:$0x1B300] =	vst v63  }
0x13: {  	_ =	swait.ge [sflag:s11], $0xD800  }
0x14: {  	s13 =	simm.s32 $0x2;
	[sflag:s11] =	ssyncset.done $0x0  }
0x15: {  	s15 =	smul.u32 $0x6C000, s12;
	s12 =	simm.s32 $0xC0;
	[sflag:s11] =	ssyncadd.s32 $0xFFFF2800  }
0x16: {  	[tilespmem:s7], [sflag:$0x1] =	stream.indirect.gather [hbm4b:s5+s6], $0x240, s12, s6, $0xb8;
	[tilespmem:$0x1B300] =	vst v63  }
0x17: {  	s15 =	sshrl.u32 s15, $0x3;
	_ =	swait.ge [sflag:s13], $0xD800  }
0x18: {  	s28 =	sadd.s32 s14, s15;
	[sflag:s13] =	ssyncset.done $0x0  }
0x19: {  	s14 =	simm.s32 $0x4;
	s15 =	sadd.s32 $0x1B00, s28;
	[sflag:s13] =	ssyncadd.s32 $0xFFFF2800  }
0x1a: {  	[hbm4b:s15+s2] =	stream.linear.scatter [tilespmem:s8], [sflag:$0x4], $0xD800, $0x38;
	[tilespmem:$0x1B300] =	vst v63  }
0x1b: {  	_ =	swait.ge [sflag:s14], $0xD800  }
0x1c: {  	[sflag:s14] =	ssyncset.done $0x0  }
0x1d: {  	s16 =	simm.s32 $0x120;
	[sflag:s14] =	ssyncadd.s32 $0xFFFF2800  }
0x1e: {  	[tilespmem:s8], [sflag:$0x2] =	stream.indirect.gather [hbm4b:s5+s6], $0x240, s16, s6, $0xb8;
	[tilespmem:$0x1B300] =	vst v63  }
0x1f: {  	_ =	swait.ge [sflag:s9], $0xD800  }
0x20: {  	[sflag:s9] =	ssyncset.done $0x0  }
0x21: {  	s17 =	sadd.s32 $0x3600, s28;
	[sflag:s9] =	ssyncadd.s32 $0xFFFF2800  }
0x22: {  	[hbm4b:s17+s2] =	stream.linear.scatter [tilespmem:s7], [sflag:$0x3], $0xD800, $0x38;
	[tilespmem:$0x1B300] =	vst v63  }
0x23: {  	_ =	swait.ge [sflag:s11], $0xD800  }
0x24: {  	[sflag:s11] =	ssyncset.done $0x0  }
0x25: {  	s18 =	simm.s32 $0x180;
	[sflag:s11] =	ssyncadd.s32 $0xFFFF2800  }
0x26: {  	[tilespmem:s7], [sflag:$0x1] =	stream.indirect.gather [hbm4b:s5+s6], $0x240, s18, s6, $0xb8;
	[tilespmem:$0x1B300] =	vst v63  }
0x27: {  	_ =	swait.ge [sflag:s13], $0xD800  }
0x28: {  	[sflag:s13] =	ssyncset.done $0x0  }
0x29: {  	s19 =	sadd.s32 $0x5100, s28;
	[sflag:s13] =	ssyncadd.s32 $0xFFFF2800  }
0x2a: {  	[hbm4b:s19+s2] =	stream.linear.scatter [tilespmem:s8], [sflag:$0x4], $0xD800, $0x38;
	[tilespmem:$0x1B300] =	vst v63  }
0x2b: {  	_ =	swait.ge [sflag:s14], $0xD800  }
0x2c: {  	[sflag:s14] =	ssyncset.done $0x0  }
0x2d: {  	s20 =	simm.s32 $0x1E0;
	[sflag:s14] =	ssyncadd.s32 $0xFFFF2800  }
0x2e: {  	[tilespmem:s8], [sflag:$0x2] =	stream.indirect.gather [hbm4b:s5+s6], $0x240, s20, s6, $0xb8;
	[tilespmem:$0x1B300] =	vst v63  }
0x2f: {  	_ =	swait.ge [sflag:s9], $0xD800  }
0x30: {  	[sflag:s9] =	ssyncset.done $0x0  }
0x31: {  	s21 =	sadd.s32 $0x6C00, s28;
	[sflag:s9] =	ssyncadd.s32 $0xFFFF2800  }
0x32: {  	[hbm4b:s21+s2] =	stream.linear.scatter [tilespmem:s7], [sflag:$0x3], $0xD800, $0x38;
	[tilespmem:$0x1B300] =	vst v63  }
0x33: {  	_ =	swait.ge [sflag:s11], $0xD800  }
0x34: {  	[sflag:s11] =	ssyncset.done $0x0  }
0x35: {  	s22 =	simm.s32 $0x240;
	[sflag:s11] =	ssyncadd.s32 $0xFFFF2800  }
0x36: {  	[tilespmem:s7], [sflag:$0x1] =	stream.indirect.gather [hbm4b:s5+s6], $0x240, s22, s6, $0xb8;
	[tilespmem:$0x1B300] =	vst v63  }
0x37: {  	_ =	swait.ge [sflag:s13], $0xD800  }
0x38: {  	[sflag:s13] =	ssyncset.done $0x0  }
0x39: {  	s23 =	sadd.s32 $0x8700, s28;
	[sflag:s13] =	ssyncadd.s32 $0xFFFF2800  }
0x3a: {  	[hbm4b:s23+s2] =	stream.linear.scatter [tilespmem:s8], [sflag:$0x4], $0xD800, $0x38;
	[tilespmem:$0x1B300] =	vst v63  }
0x3b: {  	_ =	swait.ge [sflag:s14], $0xD800  }
0x3c: {  	[sflag:s14] =	ssyncset.done $0x0  }
0x3d: {  	s24 =	simm.s32 $0x2A0;
	[sflag:s14] =	ssyncadd.s32 $0xFFFF2800  }
0x3e: {  	[tilespmem:s8], [sflag:$0x2] =	stream.indirect.gather [hbm4b:s5+s6], $0x240, s24, s6, $0xb8;
	[tilespmem:$0x1B300] =	vst v63  }
0x3f: {  	_ =	swait.ge [sflag:s9], $0xD800  }
0x40: {  	s29 =	ssub.s32 $0x2, s26;
	s25 =	sadd.s32 $0xA200, s28;
	[sflag:s9] =	ssyncset.done $0x0  }
0x41: {  	s26 =	sadd.s32 $0xBD00, s28;
	s28 =	sshrl.u32 s29, $0x1;
	[sflag:s9] =	ssyncadd.s32 $0xFFFF2800  }
0x42: {  	[hbm4b:s25+s2] =	stream.linear.scatter [tilespmem:s7], [sflag:$0x3], $0xD800, $0x38;
	[tilespmem:$0x1B300] =	vst v63  }
0x43: {  	s28 =	ssub.s32 s29, s28;
	_ =	swait.ge [sflag:s13], $0xD800  }
0x44: {  	s28 =	smax.u32 s28, $0x1;
	[sflag:s13] =	ssyncset.done $0x0  }
0x45: {  	p0 =	sne.s32 s28, $0x1;
	[sflag:s13] =	ssyncadd.s32 $0xFFFF2800  }
0x46: {  	[hbm4b:s26+s2] =	stream.linear.scatter [tilespmem:s8], [sflag:$0x4], $0xD800, $0x38;
	[tilespmem:$0x1B300] =	vst v63  }
.Ltmp0:
0x47: {  	_ =	swait.ge [sflag:s11], $0xD800;
	(pc) =	sbr.rel @!p0 .LBB2_2-.Ltmp0, $4  }
0x48: {  	[sflag:s11] =	ssyncset.done $0x0  }
0x49: {  	[sflag:s11] =	ssyncadd.s32 $0xFFFF2800  }
0x4a: {  	_ =	swait.ge [sflag:s14], $0xD800  }
0x4b: {  	s28 =	sadd.s32 $0xFFFFFFFF, s28;
	[sflag:s14] =	ssyncset.done $0x0  }
.LBB2_1:
0x4c: {  	p0 =	sne.s32 s28, $0x1;
	s28 =	sadd.s32 $0xFFFFFFFF, s28;
	[sflag:s14] =	ssyncadd.s32 $0xFFFF2800  }
0x4d: {  	[tilespmem:s2], [sflag:$0x5] =	stream.linear.gather [hbm4b:s3+s2], $0x300, $0x38;
	[tilespmem:$0x1B300] =	vst v63  }
0x4e: {  	_ =	swait.ge [sflag:s4], $0x300  }
0x4f: {  	[sflag:s4] =	ssyncset.done $0x0  }
0x50: {  	[sflag:s4] =	ssyncadd.s32 $0xFFFFFD00  }
0x51: {  	[tilespmem:s7], [sflag:$0x1] =	stream.indirect.gather [hbm4b:s5+s6], $0x240, s2, s6, $0xb8;
	[tilespmem:$0x1B300] =	vst v63  }
0x52: {  	_ = 	snop  }
0x53: {  	[tilespmem:s8], [sflag:$0x2] =	stream.indirect.gather [hbm4b:s5+s6], $0x240, s6, s6, $0xb8;
	[tilespmem:$0x1B300] =	vst v63  }
0x54: {  	_ =	swait.ge [sflag:s9], $0xD800  }
0x55: {  	[sflag:s9] =	ssyncset.done $0x0  }
0x56: {  	[sflag:s9] =	ssyncadd.s32 $0xFFFF2800  }
0x57: {  	[hbm4b:s10+s2] =	stream.linear.scatter [tilespmem:s7], [sflag:$0x3], $0xD800, $0x38;
	[tilespmem:$0x1B300] =	vst v63  }
0x58: {  	_ =	swait.ge [sflag:s11], $0xD800  }
0x59: {  	[sflag:s11] =	ssyncset.done $0x0  }
0x5a: {  	[sflag:s11] =	ssyncadd.s32 $0xFFFF2800  }
0x5b: {  	[tilespmem:s7], [sflag:$0x1] =	stream.indirect.gather [hbm4b:s5+s6], $0x240, s12, s6, $0xb8;
	[tilespmem:$0x1B300] =	vst v63  }
0x5c: {  	_ =	swait.ge [sflag:s13], $0xD800  }
0x5d: {  	[sflag:s13] =	ssyncset.done $0x0  }
0x5e: {  	[sflag:s13] =	ssyncadd.s32 $0xFFFF2800  }
0x5f: {  	[hbm4b:s15+s2] =	stream.linear.scatter [tilespmem:s8], [sflag:$0x4], $0xD800, $0x38;
	[tilespmem:$0x1B300] =	vst v63  }
0x60: {  	_ =	swait.ge [sflag:s14], $0xD800  }
0x61: {  	[sflag:s14] =	ssyncset.done $0x0  }
0x62: {  	[sflag:s14] =	ssyncadd.s32 $0xFFFF2800  }
0x63: {  	[tilespmem:s8], [sflag:$0x2] =	stream.indirect.gather [hbm4b:s5+s6], $0x240, s16, s6, $0xb8;
	[tilespmem:$0x1B300] =	vst v63  }
0x64: {  	_ =	swait.ge [sflag:s9], $0xD800  }
0x65: {  	[sflag:s9] =	ssyncset.done $0x0  }
0x66: {  	[sflag:s9] =	ssyncadd.s32 $0xFFFF2800  }
0x67: {  	[hbm4b:s17+s2] =	stream.linear.scatter [tilespmem:s7], [sflag:$0x3], $0xD800, $0x38;
	[tilespmem:$0x1B300] =	vst v63  }
0x68: {  	_ =	swait.ge [sflag:s11], $0xD800  }
0x69: {  	[sflag:s11] =	ssyncset.done $0x0  }
0x6a: {  	[sflag:s11] =	ssyncadd.s32 $0xFFFF2800  }
0x6b: {  	[tilespmem:s7], [sflag:$0x1] =	stream.indirect.gather [hbm4b:s5+s6], $0x240, s18, s6, $0xb8;
	[tilespmem:$0x1B300] =	vst v63  }
0x6c: {  	_ =	swait.ge [sflag:s13], $0xD800  }
0x6d: {  	[sflag:s13] =	ssyncset.done $0x0  }
0x6e: {  	[sflag:s13] =	ssyncadd.s32 $0xFFFF2800  }
0x6f: {  	[hbm4b:s19+s2] =	stream.linear.scatter [tilespmem:s8], [sflag:$0x4], $0xD800, $0x38;
	[tilespmem:$0x1B300] =	vst v63  }
0x70: {  	_ =	swait.ge [sflag:s14], $0xD800  }
0x71: {  	[sflag:s14] =	ssyncset.done $0x0  }
0x72: {  	[sflag:s14] =	ssyncadd.s32 $0xFFFF2800  }
0x73: {  	[tilespmem:s8], [sflag:$0x2] =	stream.indirect.gather [hbm4b:s5+s6], $0x240, s20, s6, $0xb8;
	[tilespmem:$0x1B300] =	vst v63  }
0x74: {  	_ =	swait.ge [sflag:s9], $0xD800  }
0x75: {  	[sflag:s9] =	ssyncset.done $0x0  }
0x76: {  	[sflag:s9] =	ssyncadd.s32 $0xFFFF2800  }
0x77: {  	[hbm4b:s21+s2] =	stream.linear.scatter [tilespmem:s7], [sflag:$0x3], $0xD800, $0x38;
	[tilespmem:$0x1B300] =	vst v63  }
0x78: {  	_ =	swait.ge [sflag:s11], $0xD800  }
0x79: {  	[sflag:s11] =	ssyncset.done $0x0  }
0x7a: {  	[sflag:s11] =	ssyncadd.s32 $0xFFFF2800  }
0x7b: {  	[tilespmem:s7], [sflag:$0x1] =	stream.indirect.gather [hbm4b:s5+s6], $0x240, s22, s6, $0xb8;
	[tilespmem:$0x1B300] =	vst v63  }
0x7c: {  	_ =	swait.ge [sflag:s13], $0xD800  }
0x7d: {  	[sflag:s13] =	ssyncset.done $0x0  }
0x7e: {  	[sflag:s13] =	ssyncadd.s32 $0xFFFF2800  }
0x7f: {  	[hbm4b:s23+s2] =	stream.linear.scatter [tilespmem:s8], [sflag:$0x4], $0xD800, $0x38;
	[tilespmem:$0x1B300] =	vst v63  }
0x80: {  	_ =	swait.ge [sflag:s14], $0xD800  }
0x81: {  	[sflag:s14] =	ssyncset.done $0x0  }
0x82: {  	[sflag:s14] =	ssyncadd.s32 $0xFFFF2800  }
0x83: {  	[tilespmem:s8], [sflag:$0x2] =	stream.indirect.gather [hbm4b:s5+s6], $0x240, s24, s6, $0xb8;
	[tilespmem:$0x1B300] =	vst v63  }
0x84: {  	_ =	swait.ge [sflag:s9], $0xD800  }
0x85: {  	[sflag:s9] =	ssyncset.done $0x0  }
0x86: {  	[sflag:s9] =	ssyncadd.s32 $0xFFFF2800  }
0x87: {  	[hbm4b:s25+s2] =	stream.linear.scatter [tilespmem:s7], [sflag:$0x3], $0xD800, $0x38;
	[tilespmem:$0x1B300] =	vst v63  }
0x88: {  	_ =	swait.ge [sflag:s13], $0xD800  }
0x89: {  	[sflag:s13] =	ssyncset.done $0x0  }
0x8a: {  	[sflag:s13] =	ssyncadd.s32 $0xFFFF2800  }
0x8b: {  	[hbm4b:s26+s2] =	stream.linear.scatter [tilespmem:s8], [sflag:$0x4], $0xD800, $0x38;
	[tilespmem:$0x1B300] =	vst v63  }
.Ltmp1:
0x8c: {  	_ =	swait.ge [sflag:s11], $0xD800;
	(pc) =	sbr.rel @p0 .LBB2_1-.Ltmp1, $4  }
0x8d: {  	[sflag:s11] =	ssyncset.done $0x0  }
0x8e: {  	[sflag:s11] =	ssyncadd.s32 $0xFFFF2800  }
0x8f: {  	_ =	swait.ge [sflag:s14], $0xD800  }
0x90: {  	[sflag:s14] =	ssyncset.done $0x0  }
.LBB2_2:
0x91: {  	[sflag:s14] =	ssyncadd.s32 $0xFFFF2800  }
0x92: {  	_ =	sfence.sel $0x180000  }
0x93: {  	[bflag:$0x0] =	sbarrier.arrive $0xFFFF  }
0x94: {  	p0 =	sne.s32 s0, $0x0;
	_ =	strace $0x9000004D  }
0x95: {  	s0 =	sadd.s32 @!p0 $0x100000, s1;
	[bflag:$0x2] =	sbarrier.arrive $0xFFFF  }
0x96: {  	[sflag:s0] =	ssyncadd.tile.s32 @!p0 $0x1;
	_ =	shalt  }
.Lfunc_end2:
_tile_overlayer_lowered:
.L_overlay_start_2:
0x97: {  	(tag) =	ssettag $0x2  }
0x98: {  	s0 =	rddreg [dreg:$0x0];
	s2 =	stileid.u32  }
0x99: {  	s1 =	rddreg [dreg:$0x1];
	p0 =	sne.s32 s2, $0x0  }
0x9a: {  	s3 =	rddreg [dreg:$0x2];
	[bflag:$0x3] =	sbarrier.arrive $0xFFFF;
	s2 =	simm.s32 @!p0 $0x1C05  }
0x9b: {  	[timem:s3], [sflag:s2] =	dma.local @!p0 [hbm:s0], s1  }
0x9c: {  	s0 =	simm.s32 @!p0 $0x5  }
0x9d: {  	_ =	swait.ge @!p0 [sflag:s0], s1  }
0x9e: {  	s1 =	ssub.s32 @!p0 $0x0, s1;
	[sflag:s0] =	ssyncset.done @!p0 $0x0  }
0x9f: {  	[sflag:s0] =	ssyncadd.s32 @!p0 s1  }
0xa0: {  	[bflag:$0x3] =	sbarrier.arrive $0xFFFF  }
0xa1: {  	_ =	shalt  }

// kernel: sparse-core-data-format-call.1.cloned.1.call-start
scs
called_computation.1_lowered:
.L_overlay_start_0:
0x0: {  	s2 =	sld [smem:$0x3FD9]  }
0x1: {  	s3 =	sld [smem:$0x3FFE];
	_ =	sdelay $0x1  }
0x2: {  	s1 =	srdreg.scid  }
0x3: {  	s0 =	sand.u32 $0x1, s1  }
0x4: {  	s18 =	sshll.u32 s0, $0xA;
	s2 =	sadd.s32 s3, s2  }
0x5: {  	s2 =	sadd.s32 s2, s18  }
0x6: {  	[smem:$0x3FC7] =	sst s2  }
0x7: {  	_ = 	snop  }
0x8: {  	s2 =	sld [smem:$0x3FD0];
	(tm) =	ssettm $0x1  }
0x9: {  	s19 =	sld [smem:$0x3FFB];
	_ =	sdelay $0x3  }
0xa: {  	_ =	strace s19  }
0xb: {  	s3 =	sld [smem:$0x3FFC];
	_ =	sdelay $0x3  }
0xc: {  	_ =	strace s3  }
0xd: {  	s3 =	sld [smem:$0x3FFD];
	_ =	sdelay $0x3  }
0xe: {  	_ =	strace s3  }
0xf: {  	_ =	strace $0x8FFFFFFF  }
0x10: {  	s20 =	sld [smem:$0x3FDB];
	_ =	sdelay $0x1  }
0x11: {  	s4 =	simm.s32 $_scs_section_size  }
0x12: {  	s5 =	simm.s32 $_size__tile_overlayer_lowered;
	s6 =	simm.s32 $_tile_overlayer_lowered  }
0x13: {  	s23 =	simm.s32 $0x1BFF;
	s22 =	sshll.u32 s6, $0x1;
	s3 =	sadd.s32 s4, s20  }
0x14: {  	s7 =	simm.s32 $0x0;
	s21 =	sshll.u32 s5, $0x1;
	s5 =	sadd.s32 s22, s3  }
0x15: {  	[timem:s7], [sflag:s23] =	dma.local [hbm:s5], s21  }
0x16: {  	_ =	swait.ge [sflag:s23], s21  }
0x17: {  	s4 =	ssub.s32 $0x0, s21;
	[sflag:s23] =	ssyncset.done $0x0  }
0x18: {  	[sflag:s23] =	ssyncadd.s32 s4;
	_ =	sdelay $0x1  }
0x19: {  	s24 =	simm.s32 $0x1B8B  }
0x1a: {  	_ =	swait.ge [sflag:s24], $0x1  }
0x1b: {  	[sflag:s24] =	ssyncset.done $0x0  }
0x1c: {  	s26 =	simm.s32 $0x1B8E;
	s25 =	sld [smem:$0x3FFE];
	[sflag:s24] =	ssyncadd.s32 $0xFFFFFFFF  }
0x1d: {  	s27 =	simm.s32 $execute0_lowered;
	[smem:$0x3FD2] =	sst s26  }
0x1e: {  	s5 =	sshll.u32 s27, $0x1;
	_ =	strace $0x80000052;
	[dreg:$0x1] =	wrdreg $0xFFFFFFFF  }
0x1f: {  	s28 =	simm.s32 $_size_execute0_lowered;
	s3 =	sadd.s32 s3, s5;
	[dreg:$0x0] =	wrdreg $0x0  }
0x20: {  	s5 =	sshll.u32 s28, $0x1;
	[dreg:$0x2] =	wrdreg s3  }
0x21: {  	[dreg:$0x3] =	wrdreg s5  }
0x22: {  	[dreg:$0x4] =	wrdreg $0xC0  }
0x23: {  	_ =	task [dreg:s7], $0x5FFFF  }
0x24: {  	[dreg:$0x1] =	wrdreg $0xFFFFFFFF  }
0x25: {  	[dreg:$0x0] =	wrdreg $0x60  }
0x26: {  	[dreg:$0x2] =	wrdreg s2  }
0x27: {  	[dreg:$0x3] =	wrdreg s25  }
0x28: {  	[dreg:$0x4] =	wrdreg $0x9  }
0x29: {  	_ =	task.clear_ibuf [dreg:s7], $0x5FFFF;
	_ =	strace $0x90000052  }
0x2a: {  	s29 =	simm.s32 $0x9;
	_ =	strace $0x80000054  }
0x2b: {  	_ =	swait.ge [sflag:s29], $0x1  }
0x2c: {  	[sflag:s29] =	ssyncadd.s32 $0xFFFFFFFF  }
0x2d: {  	_ =	strace $0x90000054  }
0x2e: {  	_ =	sfence  }
0x2f: {  	s30 =	sld [smem:$0x0];
	_ =	sdelay $0x2  }
0x30: {  	s31 =	sshll.u32 s1, $0xD;
	s1 =	sshrl.u32 s1, $0x2  }
0x31: {  	s3 =	sand.u32 $0x4000, s31;
	s1 =	sadd.s32 s1, s30  }
0x32: {  	s0 =	sor.u32 s3, s0;
	s1 =	sshll.u32 s1, $0x11  }
0x33: {  	s0 =	sor.u32 s1, s0  }
0x34: {  	s0 =	sadd.s32 $0x8F2B, s0  }
0x35: {  	[sflag:s0] =	ssyncadd.remote.s32 $0x1  }
0x36: {  	_ =	sfence.sel $0xFFFF  }
0x37: {  	[dreg:$0x0] =	wrdreg $0xFFFFFFFF;
	(pc) =	sbr.abs _section_cstart, $3  }
0x38: {  	[dreg:$0x1] =	wrdreg $0xFFFFFFFF  }
0x39: {  	_ =	task.clear_ibuf [dreg:s7], $0x2FFFF;
	_ =	strace $0x9FFFFFFF  }
0x3a: {  	(tm) =	ssettm $0x7FFFFFFF  }
0x3b: {  	_ =	shalt  }
tec
execute0_lowered:
.L_overlay_start_1:
0x0: {  	(tag) =	ssettag $0x1  }
0x1: {  	s1 =	srdreg.scid  }
0x2: {  	s0 =	stileid.u32;
	s3 =	rddreg [dreg:$0x0];
	s1 =	sshll.u32 s1, $0x4  }
0x3: {  	s6 =	rddreg [dreg:$0x1];
	s1 =	sor.u32 s0, s1  }
0x4: {  	s5 =	simm.s32 $0x1;
	s8 =	simm.s32 $0x2;
	s1 =	sshrl.u32 s1, $0x2  }
0x5: {  	s17 =	simm.s32 $0x0;
	s9 =	simm.s32 $0xC00;
	s2 =	sand.u32 $0x6, s1  }
0x6: {  	s15 =	simm.s32 $0x0;
	s18 =	simm.s32 $0x0;
	s4 =	ssub.s32 $0x8, s2  }
0x7: {  	s16 =	simm.s32 $0x0;
	s10 =	simm.s32 $0x0;
	s31 =	sand.u32 $0x6, s4  }
0x8: {  	s12 =	simm.s32 $0x0;
	s14 =	simm.s32 $0x0;
	p0 =	sne.s32 s31, $0x0  }
.Ltmp0:
0x9: {  	s7 =	sshrl.u32 s4, $0x3;
	s5 =	simm.s32 @!p0 $0x0;
	(pc) =	sbr.rel .LBB1_1-.Ltmp0, $4  }
0xa: {  	s6 =	sadd.s32 $0x1A00, s6;
	s1 =	rddreg [dreg:$0x2];
	s5 =	sadd.s32 s5, s7  }
0xb: {  	_ =	strace $0x80000053;
	s4 =	simm.s32 $0x1;
	s5 =	smul.u32 $0x1B, s5  }
0xc: {  	s11 =	smov.u32 s2;
	[sflag:s4] =	ssyncpa.u1 $0x0;
	s7 =	sand.u32 $0x7, s0  }
0xd: {  	[sflag:s8] =	ssyncpa.u1 $0x0;
	s13 =	smov.u32 s7;
	s8 =	sadd.s32 $0x1, s5  }
.LBB1_7:
0xe: {  	s19 =	sadd.s32 $0x80, s10  }
0xf: {  	s15 =	sadd.s32 $0x8, s11;
	s20 =	smov.u32 s11;
	p1 =	sgt.s32 s19, $0x17F  }
0x10: {  	s20 =	smov.u32 @p1 s15  }
0x11: {  	s21 =	smov.u32 s12;
	s15 =	sadd.s32 $0x40, s12;
	p2 =	sgt.s32 s20, $0x7  }
0x12: {  	s21 =	smov.u32 @p2 s15  }
0x13: {  	s22 =	smov.u32 s13;
	s15 =	sadd.s32 $0x8, s13;
	p3 =	sgt.s32 s21, $0x3F  }
0x14: {  	s22 =	smov.u32 @p3 s15  }
0x15: {  	p0 =	slt.u32 s14, $0x2;
	s19 =	simm.s32 @p1 $0x0;
	p1 =	sgt.s32 s22, $0x47  }
0x16: {  	s23 =	simm.s32 @!p0 $0x2;
	s22 =	smov.u32 @p1 s7;
	p1 =	sne.s32 s14, s8  }
.Ltmp1:
0x17: {  	s17 =	smov.u32 s10;
	_ =	swait.ge @!p0 [sflag:s23], $0x4000;
	(pc) =	sbr.rel @!p1 .LBB1_8-.Ltmp1, $4  }
0x18: {  	s18 =	smov.u32 s12;
	s16 =	smov.u32 s13;
	[sflag:s23] =	ssyncset.done @!p0 $0x0  }
0x19: {  	s10 =	smov.u32 s19;
	s20 =	smov.u32 @p2 s2;
	[sflag:s23] =	ssyncadd.s32 @!p0 $0xFFFFC000  }
0x1a: {  	s21 =	simm.s32 @p3 $0x0;
	s15 =	smov.u32 s11;
	s11 =	smov.u32 s20  }
0x1b: {  	s12 =	smov.u32 s21;
	s14 =	sadd.s32 $0x1, s14;
	s13 =	smov.u32 s22  }
.LBB1_1:
0x1c: {  	p0 =	sge.u32 s14, s5  }
0x1d: {  	s19 =	sshrl.u32 @!p0 s11, $0x3  }
0x1e: {  	s20 =	sshll.u32 @!p0 s10, $0x3;
	s19 =	smul.u32 @!p0 $0xC00, s19  }
0x1f: {  	s21 =	sshll.u32 @!p0 s11, $0x7;
	s20 =	sand.u32 @!p0 $0xFFFFFC00, s20  }
0x20: {  	s19 =	sadd.s32 @!p0 s19, s20;
	s20 =	sand.u32 @!p0 $0x380, s21  }
0x21: {  	s21 =	sand.u32 @!p0 $0x7F, s10;
	s19 =	sor.u32 @!p0 s20, s19  }
0x22: {  	s20 =	sor.u32 @!p0 s21, s19  }
0x23: {  	s21 =	smulhi.u32 @!p0 $0xAAAAAAAB, s20  }
0x24: {  	s19 =	smulhi.u32 @!p0 $0xAAAAAAAB, s19  }
0x25: {  	s31 =	sadd.s32 $0xFFFFFFFF, s14;
	s23 =	smul.u32 @!p0 $0x6000, s13;
	s21 =	sshrl.u32 @!p0 s21, $0x8  }
0x26: {  	s22 =	sxor.u32 @!p0 $0xFFFFFFFF, s14;
	s19 =	sshrl.u32 @!p0 s19, $0x8;
	s21 =	smul.u32 @!p0 $0x180, s21  }
0x27: {  	s24 =	smul.u32 @!p0 $0x180, s12;
	s22 =	sshll.u32 @!p0 s22, $0xE;
	s19 =	sand.u32 @!p0 $0x7, s19  }
0x28: {  	s19 =	smul.u32 @!p0 $0x30, s19;
	s20 =	ssub.s32 @!p0 s20, s21;
	s21 =	sadd.s32 @!p0 s3, s23  }
0x29: {  	s22 =	sand.u32 @!p0 $0x4000, s22;
	s21 =	sadd.s32 @!p0 s24, s21;
	s23 =	sand.u32 @!p0 $0x7, s20  }
0x2a: {  	s20 =	sshrl.u32 @!p0 s20, $0x3;
	s19 =	sadd.s32 @!p0 s19, s21;
	s21 =	sshll.u32 @!p0 s23, $0x12  }
0x2b: {  	s19 =	sadd.s32 @!p0 s20, s19;
	s20 =	sor.u32 @!p0 $0x100, s21;
	s21 =	simm.s32 @!p0 $0xC00  }
0x2c: {  	[tilespmem:s22], [sflag:$0x1] =	stream.strided.gather @!p0 [hbm4b:s19+s20], $0x4000, s21, s20, $0x38;
	[tilespmem:$0x10000] =	vst v63  }
0x2d: {  	p0 =	sge.u32 s31, s5  }
.Ltmp2:
0x2e: {  	_ = 	snop;
	(pc) =	sbr.rel @p0 .LBB1_7-.Ltmp2, $1  }
0x2f: {  	_ =	sdelay $0x3  }
0x30: {  	_ =	swait.ge [sflag:s4], $0x4000;
	s19 =	sshll.u32 s14, $0xE  }
0x31: {  	[sflag:s4] =	ssyncset.done $0x0;
	s20 =	sand.u32 $0x4000, s19  }
0x32: {  	s21 =	simm.s32 $0x0;
	[sflag:s4] =	ssyncadd.s32 $0xFFFFC000;
	s19 =	sor.u32 $0x8000, s20  }
.LBB1_3:
0x33: {  	s22 =	sshll.u32 s21, $0x8  }
0x34: {  	s22 =	sand.u32 $0x3FFFFF00, s22  }
0x35: {  	s23 =	sshll.u32 s21, $0x7;
	s22 =	sadd.s32 s22, s20  }
0x36: {  	s23 =	sand.u32 $0x3FFFFF80, s23;
	v0 =	vmov s22  }
0x37: {  	s23 =	sadd.s32 s23, s19  }
0x38: {  	p0 =	por $0x1, $0x1;
	v1 =	vmov s23;
	s22 =	simm.s32 $0x0  }
.LBB1_4:
0x39: {  	s23 =	sshll.u32 s22, $0x7  }
0x3a: {  	s23 =	sand.u32 $0x3FFFFF80, s23  }
0x3b: {  	v2 =	vld.idx.msk [tilespmem:v0+s23+$0x0 ss:$0x1], $0xffff  }
0x3c: {  	v3 =	vld.idx.msk [tilespmem:v0+s23+$0x10 ss:$0x1], $0xffff  }
0x3d: {  	v4 =	vld.idx.msk [tilespmem:v0+s23+$0x20 ss:$0x1], $0xffff  }
0x3e: {  	s31 =	sshll.u32 s22, $0xD;
	v5 =	vld.idx.msk [tilespmem:v0+s23+$0x30 ss:$0x1], $0xffff  }
0x3f: {  	s22 =	sand.u32 $0x3FFFE000, s31;
	v6 =	vld.idx.msk [tilespmem:v0+s23+$0x40 ss:$0x1], $0xffff  }
0x40: {  	v63 =	vld.idx.msk [tilespmem:v0+s23+$0x70 ss:$0x1], $0xffff;
	[tilespmem:v1+s22+$0x0 ss:$0x1] =	vst.idx.msk $0xffff, v2  }
0x41: {  	v2 =	vld.idx.msk [tilespmem:v0+s23+$0x50 ss:$0x1], $0xffff;
	[tilespmem:v1+s22+$0x10 ss:$0x1] =	vst.idx.msk $0xffff, v3  }
0x42: {  	p1 =	por p0, p0;
	v3 =	vld.idx.msk [tilespmem:v0+s23+$0x60 ss:$0x1], $0xffff;
	[tilespmem:v1+s22+$0x20 ss:$0x1] =	vst.idx.msk $0xffff, v4  }
.Ltmp3:
0x43: {  	[tilespmem:v1+s22+$0x30 ss:$0x1] =	vst.idx.msk $0xffff, v5;
	(pc) =	sbr.rel @p1 .LBB1_4-.Ltmp3, $4  }
0x44: {  	[tilespmem:v1+s22+$0x40 ss:$0x1] =	vst.idx.msk $0xffff, v6  }
0x45: {  	[tilespmem:v1+s22+$0x70 ss:$0x1] =	vst.idx.msk $0xffff, v63  }
0x46: {  	[tilespmem:v1+s22+$0x50 ss:$0x1] =	vst.idx.msk $0xffff, v2  }
0x47: {  	p0 =	por $0x0, $0x0;
	[tilespmem:v1+s22+$0x60 ss:$0x1] =	vst.idx.msk $0xffff, v3;
	s22 =	simm.s32 $0x1  }
0x48: {  	s21 =	sadd.s32 $0x1, s21  }
0x49: {  	p0 =	sne.s32 s21, $0x40  }
.Ltmp4:
0x4a: {  	_ = 	snop;
	(pc) =	sbr.rel @p0 .LBB1_3-.Ltmp4, $1  }
0x4b: {  	_ =	sdelay $0x3  }
0x4c: {  	s20 =	sshrl.u32 s18, $0x3  }
0x4d: {  	s21 =	sshll.u32 s17, $0x3;
	s20 =	smul.u32 $0xC00, s20  }
0x4e: {  	s28 =	sshll.u32 s18, $0x7;
	s21 =	sand.u32 $0xFFFFFC00, s21  }
0x4f: {  	s18 =	sand.u32 $0x380, s28;
	s20 =	sadd.s32 s20, s21  }
0x50: {  	s29 =	sand.u32 $0x7F, s17;
	s18 =	sor.u32 s18, s20  }
0x51: {  	s17 =	sor.u32 s29, s18;
	s18 =	smulhi.u32 $0xAAAAAAAB, s18  }
0x52: {  	s30 =	smulhi.u32 $0xAAAAAAAB, s17  }
0x53: {  	s16 =	smul.u32 $0x6000, s16  }
0x54: {  	s15 =	smul.u32 $0xC00, s15;
	s18 =	sshrl.u32 s18, $0x8;
	s20 =	sshrl.u32 s30, $0x8  }
0x55: {  	s18 =	sand.u32 $0x3F, s18;
	s20 =	smul.u32 $0x180, s20  }
0x56: {  	s18 =	smul.u32 $0x30, s18  }
.Ltmp5:
0x57: {  	s16 =	sadd.s32 s6, s16;
	s17 =	ssub.s32 s17, s20;
	(pc) =	sbr.rel .LBB1_7-.Ltmp5, $4  }
0x58: {  	s15 =	sadd.s32 s15, s16;
	s31 =	sand.u32 $0x7, s17  }
0x59: {  	s15 =	sadd.s32 s18, s15;
	s17 =	sshrl.u32 s17, $0x3;
	s16 =	sshll.u32 s31, $0x12  }
0x5a: {  	s15 =	sadd.s32 s17, s15;
	s16 =	sor.u32 $0x400, s16  }
0x5b: {  	[hbm4b:s15+s16] =	stream.strided.scatter [tilespmem:s19], [sflag:$0x2], $0x4000, s9, s16, $0x38;
	[tilespmem:$0x10000] =	vst v63  }
.LBB1_8:
0x5c: {  	_ =	sfence.sel $0x180000  }
0x5d: {  	s2 =	simm.s32 $0x1;
	[bflag:$0x0] =	sbarrier.arrive $0xFFFF  }
0x5e: {  	s31 =	simm.s32 $0x2;
	[sflag:s2] =	ssyncpa.u1 $0x1  }
0x5f: {  	[sflag:s31] =	ssyncpa.u1 $0x1  }
0x60: {  	p0 =	sne.s32 s0, $0x0;
	_ =	strace $0x90000053  }
0x61: {  	s0 =	sadd.s32 @!p0 $0x100000, s1;
	[bflag:$0x2] =	sbarrier.arrive $0xFFFF  }
0x62: {  	[sflag:s0] =	ssyncadd.tile.s32 @!p0 $0x1;
	_ =	shalt  }
.Lfunc_end1:
_tile_overlayer_lowered:
.L_overlay_start_2:
0x63: {  	(tag) =	ssettag $0x2  }
0x64: {  	s0 =	rddreg [dreg:$0x0];
	s2 =	stileid.u32  }
0x65: {  	s1 =	rddreg [dreg:$0x1];
	p0 =	sne.s32 s2, $0x0  }
0x66: {  	s3 =	rddreg [dreg:$0x2];
	[bflag:$0x3] =	sbarrier.arrive $0xFFFF;
	s2 =	simm.s32 @!p0 $0x1C01  }
0x67: {  	[timem:s3], [sflag:s2] =	dma.local @!p0 [hbm:s0], s1  }
0x68: {  	s0 =	simm.s32 @!p0 $0x1  }
0x69: {  	_ =	swait.ge @!p0 [sflag:s0], s1  }
0x6a: {  	s1 =	ssub.s32 @!p0 $0x0, s1;
	[sflag:s0] =	ssyncset.done @!p0 $0x0  }
0x6b: {  	[sflag:s0] =	ssyncadd.s32 @!p0 s1  }
0x6c: {  	[bflag:$0x3] =	sbarrier.arrive $0xFFFF  }
0x6d: {  	_ =	shalt  }

// kernel: sparse-core-data-format-call.2.cloned.1.call-start
scs
called_computation.2_lowered:
.L_overlay_start_0:
0x0: {  	s2 =	sld [smem:$0x3FD9]  }
0x1: {  	s3 =	sld [smem:$0x3FFE];
	_ =	sdelay $0x1  }
0x2: {  	s1 =	srdreg.scid  }
0x3: {  	s0 =	sand.u32 $0x1, s1  }
0x4: {  	s18 =	sshll.u32 s0, $0xA;
	s2 =	sadd.s32 s3, s2  }
0x5: {  	s2 =	sadd.s32 s2, s18  }
0x6: {  	[smem:$0x3FC7] =	sst s2  }
0x7: {  	_ = 	snop  }
0x8: {  	s2 =	sld [smem:$0x3FD0];
	(tm) =	ssettm $0x1  }
0x9: {  	s19 =	sld [smem:$0x3FFB];
	_ =	sdelay $0x3  }
0xa: {  	_ =	strace s19  }
0xb: {  	s3 =	sld [smem:$0x3FFC];
	_ =	sdelay $0x3  }
0xc: {  	_ =	strace s3  }
0xd: {  	s3 =	sld [smem:$0x3FFD];
	_ =	sdelay $0x3  }
0xe: {  	_ =	strace s3  }
0xf: {  	_ =	strace $0x8FFFFFFF  }
0x10: {  	s20 =	sld [smem:$0x3FDB];
	_ =	sdelay $0x1  }
0x11: {  	s4 =	simm.s32 $_scs_section_size  }
0x12: {  	s5 =	simm.s32 $_size__tile_overlayer_lowered;
	s6 =	simm.s32 $_tile_overlayer_lowered  }
0x13: {  	s23 =	simm.s32 $0x1BFF;
	s22 =	sshll.u32 s6, $0x1;
	s3 =	sadd.s32 s4, s20  }
0x14: {  	s7 =	simm.s32 $0x0;
	s21 =	sshll.u32 s5, $0x1;
	s5 =	sadd.s32 s22, s3  }
0x15: {  	[timem:s7], [sflag:s23] =	dma.local [hbm:s5], s21  }
0x16: {  	_ =	swait.ge [sflag:s23], s21  }
0x17: {  	s4 =	ssub.s32 $0x0, s21;
	[sflag:s23] =	ssyncset.done $0x0  }
0x18: {  	[sflag:s23] =	ssyncadd.s32 s4;
	_ =	sdelay $0x1  }
0x19: {  	s24 =	simm.s32 $0x1B8B  }
0x1a: {  	_ =	swait.ge [sflag:s24], $0x1  }
0x1b: {  	[sflag:s24] =	ssyncset.done $0x0  }
0x1c: {  	s26 =	simm.s32 $0x1B8E;
	s25 =	sld [smem:$0x3FFE];
	[sflag:s24] =	ssyncadd.s32 $0xFFFFFFFF  }
0x1d: {  	s27 =	simm.s32 $execute0_lowered;
	[smem:$0x3FD2] =	sst s26  }
0x1e: {  	s5 =	sshll.u32 s27, $0x1;
	_ =	strace $0x8000004F;
	[dreg:$0x1] =	wrdreg $0xFFFFFFFF  }
0x1f: {  	s28 =	simm.s32 $_size_execute0_lowered;
	s3 =	sadd.s32 s3, s5;
	[dreg:$0x0] =	wrdreg $0x0  }
0x20: {  	s5 =	sshll.u32 s28, $0x1;
	[dreg:$0x2] =	wrdreg s3  }
0x21: {  	[dreg:$0x3] =	wrdreg s5  }
0x22: {  	[dreg:$0x4] =	wrdreg $0xC0  }
0x23: {  	_ =	task [dreg:s7], $0x5FFFF  }
0x24: {  	[dreg:$0x1] =	wrdreg $0xFFFFFFFF  }
0x25: {  	[dreg:$0x0] =	wrdreg $0x60  }
0x26: {  	[dreg:$0x2] =	wrdreg s25  }
0x27: {  	[dreg:$0x3] =	wrdreg s2  }
0x28: {  	[dreg:$0x4] =	wrdreg $0x9  }
0x29: {  	_ =	task.clear_ibuf [dreg:s7], $0x5FFFF;
	_ =	strace $0x9000004F  }
0x2a: {  	s29 =	simm.s32 $0x9;
	_ =	strace $0x80000051  }
0x2b: {  	_ =	swait.ge [sflag:s29], $0x1  }
0x2c: {  	[sflag:s29] =	ssyncadd.s32 $0xFFFFFFFF  }
0x2d: {  	_ =	strace $0x90000051  }
0x2e: {  	_ =	sfence  }
0x2f: {  	s30 =	sld [smem:$0x0];
	_ =	sdelay $0x2  }
0x30: {  	s31 =	sshll.u32 s1, $0xD;
	s1 =	sshrl.u32 s1, $0x2  }
0x31: {  	s3 =	sand.u32 $0x4000, s31;
	s1 =	sadd.s32 s1, s30  }
0x32: {  	s0 =	sor.u32 s3, s0;
	s1 =	sshll.u32 s1, $0x11  }
0x33: {  	s0 =	sor.u32 s1, s0  }
0x34: {  	s0 =	sadd.s32 $0x8F2B, s0  }
0x35: {  	[sflag:s0] =	ssyncadd.remote.s32 $0x1  }
0x36: {  	_ =	sfence.sel $0xFFFF  }
0x37: {  	[dreg:$0x0] =	wrdreg $0xFFFFFFFF;
	(pc) =	sbr.abs _section_cstart, $3  }
0x38: {  	[dreg:$0x1] =	wrdreg $0xFFFFFFFF  }
0x39: {  	_ =	task.clear_ibuf [dreg:s7], $0x2FFFF;
	_ =	strace $0x9FFFFFFF  }
0x3a: {  	(tm) =	ssettm $0x7FFFFFFF  }
0x3b: {  	_ =	shalt  }
tec
execute0_lowered:
.L_overlay_start_1:
0x0: {  	(tag) =	ssettag $0x1  }
0x1: {  	s0 =	srdreg.scid  }
0x2: {  	s1 =	sshll.u32 s0, $0x4  }
0x3: {  	s6 =	rddreg [dreg:$0x0];
	s0 =	stileid.u32;
	s1 =	sand.u32 $0x10, s1  }
0x4: {  	s3 =	rddreg [dreg:$0x1];
	s1 =	sor.u32 s0, s1  }
0x5: {  	s5 =	simm.s32 $0x1;
	s31 =	simm.s32 $0x2;
	s2 =	sshll.u32 s1, $0x7  }
0x6: {  	s15 =	simm.s32 $0x0;
	s8 =	simm.s32 $0x30000;
	s4 =	ssub.s32 $0x6000, s2  }
0x7: {  	s14 =	simm.s32 $0x0;
	s9 =	simm.s32 $0x0;
	s30 =	sand.u32 $0xF80, s4  }
0x8: {  	s10 =	simm.s32 $0x0;
	s11 =	simm.s32 $0x0;
	p0 =	sne.s32 s30, $0x0  }
.Ltmp0:
0x9: {  	s7 =	sshrl.u32 s4, $0xC;
	s5 =	simm.s32 @!p0 $0x0;
	(pc) =	sbr.rel .LBB1_1-.Ltmp0, $4  }
0xa: {  	s13 =	simm.s32 $0x0;
	s1 =	rddreg [dreg:$0x2];
	s5 =	sadd.s32 s5, s7  }
0xb: {  	_ =	strace $0x80000050;
	s4 =	simm.s32 $0x1;
	s5 =	smul.u32 $0x5, s5  }
0xc: {  	s6 =	sadd.s32 $0x1A00, s6;
	s12 =	smov.u32 s2;
	[sflag:s4] =	ssyncpa.u1 $0x0  }
0xd: {  	[sflag:s31] =	ssyncpa.u1 $0x0;
	p0 =	por $0x0, $0x0;
	s7 =	sadd.s32 $0x1, s5  }
.LBB1_4:
0xe: {  	s21 =	sshrl.u32 s9, $0x3;
	s22 =	sshll.u32 s10, $0x3;
	s23 =	sshll.u32 s9, $0x7  }
0xf: {  	s24 =	sand.u32 $0x7F, s10;
	s20 =	sshra.s32 s20, $0x2;
	p1 =	sgt.s32 s9, $0x1C0  }
0x10: {  	s27 =	sshra.s32 s9, $0x1F;
	s21 =	smul.u32 $0x30000, s21;
	s22 =	sand.u32 $0xFFFFFC00, s22  }
0x11: {  	s23 =	sand.u32 $0x380, s23;
	s19 =	sadd.s32 s20, s19;
	s20 =	smov.u32 s9  }
0x12: {  	s25 =	sor.u32 s24, s23;
	s20 =	simm.s32 @!p1 $0x1C0;
	s21 =	sadd.s32 s22, s21  }
0x13: {  	v5 =	vld [tilespmem:s17+$0xFFFFFFD0];
	[tilespmem:s18+$0x2040 ss:$0x81] =	vst.msk $0xffff, v4;
	s24 =	sand.u32 s27, s9;
	s22 =	sor.u32 s21, s25;
	s21 =	smulhi.u32 $0xAAAAAAAB, s21  }
0x14: {  	v58 =	vld [tilespmem:s17+$0xFFFFFFE0];
	[tilespmem:s18+$0x2850 ss:$0x81] =	vst.msk $0xffff, v3;
	p1 =	sgt.s32 s10, $0x5F80;
	s20 =	ssub.s32 s20, s24;
	s26 =	smulhi.u32 $0xAAAAAAAB, s22  }
0x15: {  	v59 =	vld [tilespmem:s17+$0xFFFFFFF0];
	[tilespmem:s18+$0x3060 ss:$0x81] =	vst.msk $0xffff, v2;
	s25 =	smov.u32 s10;
	s31 =	sadd.s32 $0xFFFFFE40, s20;
	s28 =	sshrl.u32 s21, $0xE  }
0x16: {  	v60 =	vld [tilespmem:s17+$0x0];
	[tilespmem:s18+$0x0 ss:$0x81] =	vst.msk $0xffff, v0;
	s23 =	sshrl.u32 s26, $0xE;
	s26 =	sshra.s32 s10, $0x1F;
	s30 =	smulhi.u32 $0x71C71D, s28  }
0x17: {  	v61 =	vld [tilespmem:s17+$0x10];
	[tilespmem:s19+$0x3870 ss:$0x81] =	vst.msk $0xffff, v1;
	s20 =	ssub.s32 $0x240, s20;
	s25 =	simm.s32 @!p1 $0x5F80;
	s26 =	sand.u32 s26, s10  }
0x18: {  	v62 =	vld [tilespmem:s17+$0x20];
	p1 =	sgt.s32 s31, $0x7F;
	[tilespmem:s19+$0x810 ss:$0x81] =	vst.msk $0xffff, v5;
	s29 =	ssub.s32 s25, s26;
	s27 =	smul.u32 $0x240, s30  }
0x19: {  	v63 =	vld [tilespmem:s17+$0xFFFFFFC0];
	[tilespmem:s19+$0x1020 ss:$0x81] =	vst.msk $0xffff, v58;
	s20 =	simm.s32 @p1 $0x0;
	s23 =	smul.u32 $0x6000, s23;
	s26 =	sadd.s32 $0xFFFFA080, s29  }
0x1a: {  	[tilespmem:s19+$0x1830 ss:$0x81] =	vst.msk $0xffff, v59;
	s21 =	ssub.s32 $0x6000, s29;
	p2 =	sgt.s32 s26, $0x7F;
	s17 =	ssub.s32 s28, s27  }
0x1b: {  	[tilespmem:s19+$0x2040 ss:$0x81] =	vst.msk $0xffff, v60;
	s22 =	ssub.s32 s22, s23;
	s21 =	simm.s32 @p2 $0x0;
	s17 =	smul.u32 $0xC00, s17  }
0x1c: {  	[tilespmem:s19+$0x2850 ss:$0x81] =	vst.msk $0xffff, v61;
	s29 =	sshrl.u32 s22, $0x3;
	s30 =	sand.u32 $0x7, s22;
	s28 =	smul.u32 s21, s20  }
0x1d: {  	[tilespmem:s19+$0x3060 ss:$0x81] =	vst.msk $0xffff, v62;
	s20 =	sadd.s32 s3, s29;
	s21 =	sshll.u32 s30, $0x12  }
0x1e: {  	[tilespmem:s19+$0x0 ss:$0x81] =	vst.msk $0xffff, v63;
	s17 =	sadd.s32 s17, s20;
	s31 =	sor.u32 $0x400, s21;
	s18 =	sand.u32 $0x3FFFFFFF, s28  }
0x1f: {  	[hbm4b:s17+s31] =	stream.strided.scatter [tilespmem:s16], [sflag:$0x2], s18, s8, s31, $0x20;
	[tilespmem:$0x10100] =	vst v63  }
.LBB1_5:
0x20: {  	p1 =	slt.u32 s13, $0x2  }
0x21: {  	s17 =	smov.u32 s15;
	p2 =	sgt.s32 @!p1 s15, $0x1C0;
	s16 =	sshra.s32 @!p1 s15, $0x1F  }
0x22: {  	p3 =	sgt.s32 @!p1 s14, $0x5F80;
	s18 =	sshra.s32 @!p1 s14, $0x1F;
	p2 =	por !p2, p1  }
0x23: {  	s15 =	sand.u32 @!p1 s16, s15;
	p3 =	por !p3, p1;
	s16 =	smov.u32 s14  }
0x24: {  	s14 =	sand.u32 @!p1 s18, s14;
	s17 =	simm.s32 @p2 $0x1C0;
	s16 =	simm.s32 @p3 $0x5F80  }
0x25: {  	s15 =	ssub.s32 @!p1 s17, s15;
	s14 =	ssub.s32 @!p1 s16, s14  }
0x26: {  	s18 =	smov.u32 s12;
	s16 =	sadd.s32 @!p1 $0xFFFFFE40, s15;
	s17 =	sadd.s32 @!p1 $0xFFFFA080, s14  }
0x27: {  	s15 =	ssub.s32 @!p1 $0x240, s15;
	p2 =	sgt.s32 @!p1 s16, $0x7F;
	p3 =	sgt.s32 @!p1 s17, $0x7F  }
0x28: {  	s14 =	ssub.s32 @!p1 $0x6000, s14;
	p2 =	por !p2, p1;
	p3 =	por !p3, p1  }
0x29: {  	s16 =	sadd.s32 $0x80, s11;
	s15 =	simm.s32 @!p2 $0x0;
	s14 =	simm.s32 @!p3 $0x0  }
0x2a: {  	p2 =	sgt.s32 s16, $0x23F;
	s14 =	smul.u32 @!p1 s14, s15;
	s15 =	sadd.s32 $0x1000, s12  }
0x2b: {  	s18 =	smov.u32 @p2 s15  }
0x2c: {  	s16 =	simm.s32 @p2 $0x0;
	p2 =	sgt.s32 s18, $0x5FFF  }
0x2d: {  	s18 =	smov.u32 @p2 s2;
	p2 =	sne.s32 s13, s7  }
.Ltmp1:
0x2e: {  	p0 =	por !p0, !p0;
	s17 =	simm.s32 @!p1 $0x2;
	(pc) =	sbr.rel @!p2 .LBB1_6-.Ltmp1, $4  }
0x2f: {  	s15 =	smov.u32 s9;
	s9 =	smov.u32 s11;
	s14 =	sand.u32 @!p1 $0x3FFFFFFF, s14  }
0x30: {  	s11 =	smov.u32 s16;
	_ =	swait.ge @!p1 [sflag:s17], s14;
	s19 =	ssub.s32 @!p1 $0x0, s14  }
0x31: {  	s14 =	smov.u32 s10;
	s13 =	sadd.s32 $0x1, s13;
	[sflag:s17] =	ssyncset.done @!p1 $0x0  }
0x32: {  	s10 =	smov.u32 s12;
	s12 =	smov.u32 s18;
	[sflag:s17] =	ssyncadd.s32 @!p1 s19  }
.LBB1_1:
0x33: {  	p1 =	sge.u32 s13, s5  }
0x34: {  	s16 =	sshrl.u32 @!p1 s12, $0x3  }
0x35: {  	s17 =	sshll.u32 @!p1 s11, $0x3;
	s16 =	smul.u32 @!p1 $0x1400, s16  }
0x36: {  	s18 =	sshll.u32 @!p1 s12, $0x7;
	s17 =	sand.u32 @!p1 $0xFFFFFC00, s17  }
0x37: {  	s16 =	sadd.s32 @!p1 s16, s17;
	s17 =	sand.u32 @!p1 $0x380, s18  }
0x38: {  	s16 =	sor.u32 @!p1 s17, s16  }
0x39: {  	s17 =	sand.u32 @!p1 $0x7F, s11;
	s18 =	smulhi.u32 @!p1 $0xCCCCCCCD, s16  }
0x3a: {  	s16 =	sor.u32 @!p1 s17, s16  }
0x3b: {  	s17 =	smulhi.u32 @!p1 $0xCCCCCCCD, s16;
	s18 =	sshrl.u32 @!p1 s18, $0x9  }
0x3c: {  	s19 =	smulhi.u32 @!p1 $0x2AAAAB, s18  }
0x3d: {  	s17 =	sshrl.u32 @!p1 s17, $0x9  }
0x3e: {  	s17 =	smul.u32 @!p1 $0x280, s17;
	s19 =	sshrl.u32 @!p1 s19, $0x4  }
0x3f: {  	s19 =	smul.u32 @!p1 $0x6000, s19  }
0x40: {  	s31 =	sadd.s32 $0xFFFFFFFF, s13;
	s20 =	sxor.u32 @!p1 $0xFFFFFFFF, s13  }
0x41: {  	s16 =	ssub.s32 @!p1 s16, s17;
	s17 =	sshll.u32 @!p1 s20, $0xE;
	s18 =	ssub.s32 @!p1 s18, s19  }
0x42: {  	s19 =	sshrl.u32 @!p1 s16, $0x3;
	s16 =	sand.u32 @!p1 $0x7, s16;
	s18 =	smul.u32 @!p1 $0x50, s18  }
0x43: {  	s17 =	sand.u32 @!p1 $0x4000, s17;
	s19 =	sadd.s32 @!p1 s6, s19;
	s16 =	sshll.u32 @!p1 s16, $0x12  }
0x44: {  	s16 =	sor.u32 @!p1 $0x400, s16;
	s18 =	sadd.s32 @!p1 s18, s19;
	s19 =	simm.s32 @!p1 $0x1400  }
0x45: {  	[tilespmem:s17], [sflag:$0x1] =	stream.strided.gather @!p1 [hbm4b:s18+s16], $0x4000, s19, s16, $0x38;
	[tilespmem:$0x10100] =	vst v63  }
0x46: {  	p1 =	sge.u32 s31, s5  }
.Ltmp2:
0x47: {  	_ = 	snop;
	(pc) =	sbr.rel @p1 .LBB1_5-.Ltmp2, $1  }
0x48: {  	_ =	sdelay $0x3  }
0x49: {  	s16 =	simm.s32 $0x1  }
0x4a: {  	_ =	swait.ge [sflag:s4], $0x4000;
	s16 =	simm.s32 @!p0 $0x0  }
0x4b: {  	[sflag:s4] =	ssyncset.done $0x0;
	s17 =	sshll.u32 s16, $0xE  }
0x4c: {  	[sflag:s4] =	ssyncadd.s32 $0xFFFFC000;
	s17 =	sor.u32 $0x40, s17  }
0x4d: {  	s16 =	smul.u32 $0x10200, s16;
	v0 =	vld [tilespmem:s17+$0x30]  }
0x4e: {  	v1 =	vld [tilespmem:s17+$0xFFFFFFD0]  }
0x4f: {  	s16 =	sshrl.u32 s16, $0x2;
	v5 =	vld [tilespmem:s17+$0xFFFFFFE0]  }
0x50: {  	v6 =	vld [tilespmem:s17+$0xFFFFFFF0];
	s19 =	sor.u32 $0x8000, s16  }
0x51: {  	s31 =	sand.u32 $0x1, s13;
	v4 =	vld [tilespmem:s17+$0x0];
	s18 =	sadd.s32 $0x0, s19  }
0x52: {  	v3 =	vld [tilespmem:s17+$0x10];
	s16 =	smul.u32 $0x10200, s31;
	[tilespmem:s18+$0x3870 ss:$0x81] =	vst.msk $0xffff, v0  }
0x53: {  	v2 =	vld [tilespmem:s17+$0x20];
	[tilespmem:s18+$0x810 ss:$0x81] =	vst.msk $0xffff, v1  }
0x54: {  	s16 =	sshrl.u32 s16, $0x2;
	v0 =	vld [tilespmem:s17+$0xFFFFFFC0];
	[tilespmem:s18+$0x1020 ss:$0x81] =	vst.msk $0xffff, v5;
	s17 =	sadd.s32 $0x80, s17  }
0x55: {  	s20 =	simm.s32 $0x4;
	s21 =	simm.s32 $0x8;
	s16 =	sor.u32 $0x8000, s16;
	[tilespmem:s18+$0x1830 ss:$0x81] =	vst.msk $0xffff, v6;
	v1 =	vld [tilespmem:s17+$0x30]  }
.LBB1_3:
0x56: {  	p1 =	sne.s32 s21, $0x1FC;
	v5 =	vld [tilespmem:s17+$0xFFFFFFD0];
	[tilespmem:s18+$0x2040 ss:$0x81] =	vst.msk $0xffff, v4  }
0x57: {  	v6 =	vld [tilespmem:s17+$0xFFFFFFE0];
	[tilespmem:s18+$0x2850 ss:$0x81] =	vst.msk $0xffff, v3  }
0x58: {  	s22 =	sshra.s32 s20, $0x2;
	s20 =	smov.u32 s21;
	v7 =	vld [tilespmem:s17+$0xFFFFFFF0];
	[tilespmem:s18+$0x3060 ss:$0x81] =	vst.msk $0xffff, v2  }
.Ltmp3:
0x59: {  	v4 =	vld [tilespmem:s17+$0x0];
	[tilespmem:s18+$0x0 ss:$0x81] =	vst.msk $0xffff, v0;
	s18 =	sadd.s32 s22, s19;
	(pc) =	sbr.rel @p1 .LBB1_3-.Ltmp3, $4  }
0x5a: {  	v3 =	vld [tilespmem:s17+$0x10];
	[tilespmem:s18+$0x3870 ss:$0x81] =	vst.msk $0xffff, v1  }
0x5b: {  	[tilespmem:s18+$0x810 ss:$0x81] =	vst.msk $0xffff, v5;
	v2 =	vld [tilespmem:s17+$0x20]  }
0x5c: {  	v0 =	vld [tilespmem:s17+$0xFFFFFFC0];
	[tilespmem:s18+$0x1020 ss:$0x81] =	vst.msk $0xffff, v6;
	s17 =	sadd.s32 $0x80, s17  }
0x5d: {  	s21 =	sadd.s32 $0x4, s21;
	v1 =	vld [tilespmem:s17+$0x30];
	[tilespmem:s18+$0x1830 ss:$0x81] =	vst.msk $0xffff, v7  }
.Ltmp4:
0x5e: {  	_ = 	snop;
	(pc) =	sbr.rel .LBB1_4-.Ltmp4, $1  }
0x5f: {  	_ =	sdelay $0x3  }
.LBB1_6:
0x60: {  	_ =	sfence.sel $0x180000  }
0x61: {  	s2 =	simm.s32 $0x1;
	[bflag:$0x0] =	sbarrier.arrive $0xFFFF  }
0x62: {  	s31 =	simm.s32 $0x2;
	[sflag:s2] =	ssyncpa.u1 $0x1  }
0x63: {  	[sflag:s31] =	ssyncpa.u1 $0x1  }
0x64: {  	p0 =	sne.s32 s0, $0x0;
	_ =	strace $0x90000050  }
0x65: {  	s0 =	sadd.s32 @!p0 $0x100000, s1;
	[bflag:$0x2] =	sbarrier.arrive $0xFFFF  }
0x66: {  	[sflag:s0] =	ssyncadd.tile.s32 @!p0 $0x1;
	_ =	shalt  }
.Lfunc_end1:
_tile_overlayer_lowered:
.L_overlay_start_2:
0x67: {  	(tag) =	ssettag $0x2  }
0x68: {  	s0 =	rddreg [dreg:$0x0];
	s2 =	stileid.u32  }
0x69: {  	s1 =	rddreg [dreg:$0x1];
	p0 =	sne.s32 s2, $0x0  }
0x6a: {  	s3 =	rddreg [dreg:$0x2];
	[bflag:$0x3] =	sbarrier.arrive $0xFFFF;
	s2 =	simm.s32 @!p0 $0x1C01  }
0x6b: {  	[timem:s3], [sflag:s2] =	dma.local @!p0 [hbm:s0], s1  }
0x6c: {  	s0 =	simm.s32 @!p0 $0x1  }
0x6d: {  	_ =	swait.ge @!p0 [sflag:s0], s1  }
0x6e: {  	s1 =	ssub.s32 @!p0 $0x0, s1;
	[sflag:s0] =	ssyncset.done @!p0 $0x0  }
0x6f: {  	[sflag:s0] =	ssyncadd.s32 @!p0 s1  }
0x70: {  	[bflag:$0x3] =	sbarrier.arrive $0xFFFF  }
0x71: {  	_ =	shalt  }

// kernel: sparse-core-data-format-call.3.cloned.1.call-start
scs
called_computation.3_lowered:
.L_overlay_start_0:
0x0: {  	s1 =	sld [smem:$0x3FD9]  }
0x1: {  	s2 =	sld [smem:$0x3FFE];
	_ =	sdelay $0x1  }
0x2: {  	s3 =	srdreg.scid  }
0x3: {  	s0 =	sand.u32 $0x1, s3  }
0x4: {  	s17 =	sshll.u32 s0, $0xA;
	s1 =	sadd.s32 s2, s1  }
0x5: {  	s1 =	sadd.s32 s1, s17  }
0x6: {  	[smem:$0x3FC7] =	sst s1  }
0x7: {  	_ = 	snop  }
0x8: {  	(tm) =	ssettm $0x1  }
0x9: {  	s18 =	sld [smem:$0x3FFB];
	_ =	sdelay $0x3  }
0xa: {  	_ =	strace s18  }
0xb: {  	s1 =	sld [smem:$0x3FFC];
	_ =	sdelay $0x3  }
0xc: {  	_ =	strace s1  }
0xd: {  	s1 =	sld [smem:$0x3FFD];
	_ =	sdelay $0x3  }
0xe: {  	_ =	strace s1  }
0xf: {  	_ =	strace $0x8FFFFFFF  }
0x10: {  	s19 =	sld [smem:$0x3FDB];
	_ =	sdelay $0x1  }
0x11: {  	s20 =	simm.s32 $_scs_section_size  }
0x12: {  	s4 =	simm.s32 $_size__tile_overlayer_lowered;
	s5 =	simm.s32 $_tile_overlayer_lowered  }
0x13: {  	s23 =	simm.s32 $0x1BFF;
	s22 =	sshll.u32 s5, $0x1;
	s1 =	sadd.s32 s20, s19  }
0x14: {  	s6 =	simm.s32 $0x0;
	s21 =	sshll.u32 s4, $0x1;
	s4 =	sadd.s32 s22, s1  }
0x15: {  	[timem:s6], [sflag:s23] =	dma.local [hbm:s4], s21  }
0x16: {  	_ =	swait.ge [sflag:s23], s21  }
0x17: {  	s2 =	ssub.s32 $0x0, s21;
	[sflag:s23] =	ssyncset.done $0x0  }
0x18: {  	[sflag:s23] =	ssyncadd.s32 s2;
	_ =	sdelay $0x1  }
0x19: {  	s24 =	simm.s32 $0x1B8B  }
0x1a: {  	_ =	swait.ge [sflag:s24], $0x1  }
0x1b: {  	[sflag:s24] =	ssyncset.done $0x0  }
0x1c: {  	s26 =	simm.s32 $0x1B8E;
	s25 =	sld [smem:$0x3FFE];
	[sflag:s24] =	ssyncadd.s32 $0xFFFFFFFF  }
0x1d: {  	s27 =	simm.s32 $execute0_lowered;
	[smem:$0x3FD2] =	sst s26  }
0x1e: {  	s4 =	sshll.u32 s27, $0x1;
	_ =	strace $0x80000049;
	[dreg:$0x1] =	wrdreg $0xFFFFFFFF  }
0x1f: {  	s28 =	simm.s32 $_size_execute0_lowered;
	s1 =	sadd.s32 s1, s4;
	[dreg:$0x0] =	wrdreg $0x0  }
0x20: {  	s4 =	sshll.u32 s28, $0x1;
	[dreg:$0x2] =	wrdreg s1  }
0x21: {  	[dreg:$0x3] =	wrdreg s4  }
0x22: {  	[dreg:$0x4] =	wrdreg $0xC0  }
0x23: {  	_ =	task [dreg:s6], $0x5FFFF  }
0x24: {  	[dreg:$0x1] =	wrdreg $0xFFFFFFFF  }
0x25: {  	[dreg:$0x0] =	wrdreg $0x60  }
0x26: {  	[dreg:$0x2] =	wrdreg s25  }
0x27: {  	[dreg:$0x3] =	wrdreg $0x9  }
0x28: {  	_ =	task.clear_ibuf [dreg:s6], $0x4FFFF;
	_ =	strace $0x90000049  }
0x29: {  	s29 =	simm.s32 $0x9;
	_ =	strace $0x8000004B  }
0x2a: {  	_ =	swait.ge [sflag:s29], $0x1  }
0x2b: {  	[sflag:s29] =	ssyncadd.s32 $0xFFFFFFFF  }
0x2c: {  	_ =	strace $0x9000004B  }
0x2d: {  	_ =	sfence  }
0x2e: {  	s30 =	sld [smem:$0x0];
	_ =	sdelay $0x2  }
0x2f: {  	s31 =	sshll.u32 s3, $0xD;
	s3 =	sshrl.u32 s3, $0x2  }
0x30: {  	s2 =	sand.u32 $0x4000, s31;
	s1 =	sadd.s32 s3, s30  }
0x31: {  	s0 =	sor.u32 s2, s0;
	s1 =	sshll.u32 s1, $0x11  }
0x32: {  	s0 =	sor.u32 s1, s0  }
0x33: {  	s0 =	sadd.s32 $0x8F2B, s0  }
0x34: {  	[sflag:s0] =	ssyncadd.remote.s32 $0x1  }
0x35: {  	_ =	sfence.sel $0xFFFF  }
0x36: {  	[dreg:$0x0] =	wrdreg $0xFFFFFFFF;
	(pc) =	sbr.abs _section_cstart, $3  }
0x37: {  	[dreg:$0x1] =	wrdreg $0xFFFFFFFF  }
0x38: {  	_ =	task.clear_ibuf [dreg:s6], $0x2FFFF;
	_ =	strace $0x9FFFFFFF  }
0x39: {  	(tm) =	ssettm $0x7FFFFFFF  }
tec
execute0_lowered:
.L_overlay_start_1:
0x0: {  	(tag) =	ssettag $0x1  }
0x1: {  	s0 =	srdreg.scid  }
0x2: {  	s1 =	sshll.u32 s0, $0x4  }
0x3: {  	s0 =	stileid.u32;
	s1 =	sand.u32 $0x10, s1  }
0x4: {  	s1 =	sor.u32 s0, s1  }
0x5: {  	s6 =	rddreg [dreg:$0x0];
	s7 =	simm.s32 $0x2;
	s2 =	sshll.u32 s1, $0x7  }
0x6: {  	s13 =	simm.s32 $0x0;
	s8 =	simm.s32 $0x1400;
	s1 =	ssub.s32 $0xC000, s2  }
0x7: {  	s12 =	simm.s32 $0x0;
	s10 =	simm.s32 $0x0;
	s3 =	sand.u32 $0xF80, s1  }
0x8: {  	s11 =	simm.s32 $0x0;
	p0 =	sne.s32 s3, $0x0;
	s3 =	simm.s32 $0x1  }
.Ltmp0:
0x9: {  	s4 =	sshrl.u32 s1, $0xC;
	s3 =	simm.s32 @!p0 $0x0;
	(pc) =	sbr.rel .LBB1_1-.Ltmp0, $4  }
0xa: {  	s5 =	sadd.s32 $0x361A00, s6;
	s1 =	rddreg [dreg:$0x1];
	s4 =	sadd.s32 s3, s4  }
0xb: {  	_ =	strace $0x8000004A;
	s3 =	simm.s32 $0x1;
	s4 =	smul.u32 $0x5, s4  }
0xc: {  	s6 =	sadd.s32 $0x6C1A00, s6;
	s9 =	smov.u32 s2;
	[sflag:s3] =	ssyncpa.u1 $0x0  }
0xd: {  	p0 =	por $0x0, $0x0;
	[sflag:s7] =	ssyncpa.u1 $0x0;
	s7 =	sadd.s32 $0x1, s4  }
.LBB1_4:
0xe: {  	s19 =	sshrl.u32 s13, $0x3  }
0xf: {  	s20 =	sshll.u32 s12, $0x3;
	s19 =	smul.u32 $0x1400, s19  }
0x10: {  	s24 =	sshll.u32 s13, $0x7;
	s20 =	sand.u32 $0xFFFFFC00, s20  }
0x11: {  	s13 =	sand.u32 $0x380, s24;
	s19 =	sadd.s32 s20, s19  }
0x12: {  	s13 =	sor.u32 s13, s19  }
0x13: {  	v5 =	vld [tilespmem:s16+$0xFFFFFFD0];
	[tilespmem:s17+$0x2040 ss:$0x81] =	vst.msk $0xffff, v4;
	s25 =	sand.u32 $0x7F, s12;
	s19 =	smulhi.u32 $0xCCCCCCCD, s13  }
0x14: {  	v58 =	vld [tilespmem:s16+$0xFFFFFFE0];
	[tilespmem:s17+$0x2850 ss:$0x81] =	vst.msk $0xffff, v3;
	s12 =	sor.u32 s25, s13  }
0x15: {  	s26 =	sshra.s32 s18, $0x2;
	v59 =	vld [tilespmem:s16+$0xFFFFFFF0];
	[tilespmem:s17+$0x3060 ss:$0x81] =	vst.msk $0xffff, v2;
	s27 =	smulhi.u32 $0xCCCCCCCD, s12;
	s19 =	sshrl.u32 s19, $0x9  }
0x16: {  	v60 =	vld [tilespmem:s16+$0x0];
	[tilespmem:s17+$0x0 ss:$0x81] =	vst.msk $0xffff, v0;
	s13 =	sadd.s32 s26, s15;
	s28 =	smulhi.u32 $0x2AAAAB, s19  }
0x17: {  	v61 =	vld [tilespmem:s16+$0x10];
	[tilespmem:s13+$0x3870 ss:$0x81] =	vst.msk $0xffff, v1;
	s29 =	sshrl.u32 s27, $0x9  }
0x18: {  	v62 =	vld [tilespmem:s16+$0x20];
	[tilespmem:s13+$0x810 ss:$0x81] =	vst.msk $0xffff, v5;
	s17 =	smul.u32 $0x280, s29;
	s15 =	sshrl.u32 s28, $0x5  }
0x19: {  	v63 =	vld [tilespmem:s16+$0xFFFFFFC0];
	[tilespmem:s13+$0x1020 ss:$0x81] =	vst.msk $0xffff, v58;
	s15 =	smul.u32 $0xC000, s15  }
0x1a: {  	[tilespmem:s13+$0x1830 ss:$0x81] =	vst.msk $0xffff, v59  }
0x1b: {  	[tilespmem:s13+$0x2040 ss:$0x81] =	vst.msk $0xffff, v60;
	s12 =	ssub.s32 s12, s17;
	s15 =	ssub.s32 s19, s15  }
0x1c: {  	[tilespmem:s13+$0x2850 ss:$0x81] =	vst.msk $0xffff, v61;
	s30 =	sshrl.u32 s12, $0x3;
	s12 =	sand.u32 $0x7, s12;
	s15 =	smul.u32 $0x50, s15  }
0x1d: {  	[tilespmem:s13+$0x3060 ss:$0x81] =	vst.msk $0xffff, v62;
	s16 =	sadd.s32 s6, s30;
	s12 =	sshll.u32 s12, $0x12  }
0x1e: {  	[tilespmem:s13+$0x0 ss:$0x81] =	vst.msk $0xffff, v63;
	s12 =	sor.u32 $0x400, s12;
	s31 =	sadd.s32 s15, s16  }
0x1f: {  	[hbm4b:s31+s12] =	stream.strided.scatter [tilespmem:s14], [sflag:$0x2], $0x4000, s8, s12, $0x20;
	[tilespmem:$0x10100] =	vst v63  }
.LBB1_5:
0x20: {  	s14 =	sadd.s32 $0x1000, s9  }
0x21: {  	s12 =	sadd.s32 $0x80, s10;
	s16 =	smov.u32 s10;
	p2 =	sgt.s32 s14, $0xBFFF  }
0x22: {  	s16 =	smov.u32 @p2 s12  }
0x23: {  	s14 =	smov.u32 @p2 s2;
	p2 =	sgt.s32 s16, $0x23F  }
0x24: {  	s16 =	simm.s32 @p2 $0x0;
	p2 =	sne.s32 s11, s7  }
.Ltmp1:
0x25: {  	p1 =	slt.u32 s11, $0x2;
	(pc) =	sbr.rel @!p2 .LBB1_6-.Ltmp1, $4  }
0x26: {  	s15 =	simm.s32 @!p1 $0x2  }
0x27: {  	s13 =	smov.u32 s9;
	p0 =	por !p0, !p0;
	_ =	swait.ge @!p1 [sflag:s15], $0x4000  }
0x28: {  	s12 =	smov.u32 s10;
	[sflag:s15] =	ssyncset.done @!p1 $0x0;
	s9 =	smov.u32 s14  }
0x29: {  	s11 =	sadd.s32 $0x1, s11;
	[sflag:s15] =	ssyncadd.s32 @!p1 $0xFFFFC000;
	s10 =	smov.u32 s16  }
.LBB1_1:
0x2a: {  	p1 =	sge.u32 s11, s4  }
0x2b: {  	s19 =	smov.u32 s9;
	s31 =	sadd.s32 $0xFFFFFFFF, s11;
	s14 =	sshrl.u32 @!p1 s10, $0x3  }
0x2c: {  	s15 =	sshll.u32 @!p1 s9, $0x3;
	s16 =	sshll.u32 @!p1 s10, $0x7;
	s17 =	sand.u32 @!p1 $0x7F, s9  }
0x2d: {  	p2 =	sgt.s32 @!p1 s10, $0x1C0;
	s18 =	sshra.s32 @!p1 s10, $0x1F;
	s14 =	smul.u32 @!p1 $0x60000, s14  }
0x2e: {  	s20 =	sshra.s32 @!p1 s9, $0x1F;
	s15 =	sand.u32 @!p1 $0xFFFFFC00, s15;
	s16 =	sand.u32 @!p1 $0x380, s16  }
0x2f: {  	p2 =	por !p2, p1;
	s14 =	sadd.s32 @!p1 s14, s15;
	s15 =	sor.u32 @!p1 s17, s16  }
0x30: {  	s18 =	sand.u32 @!p1 s18, s10;
	s17 =	smov.u32 s10;
	s15 =	sor.u32 @!p1 s14, s15  }
0x31: {  	s14 =	smulhi.u32 @!p1 $0xAAAAAAAB, s14;
	s17 =	simm.s32 @p2 $0x1C0;
	p2 =	sgt.s32 @!p1 s9, $0xBF80  }
0x32: {  	s20 =	sand.u32 @!p1 s20, s9;
	s16 =	smulhi.u32 @!p1 $0xAAAAAAAB, s15;
	p2 =	por !p2, p1  }
0x33: {  	s17 =	ssub.s32 @!p1 s17, s18;
	s19 =	simm.s32 @p2 $0xBF80;
	s14 =	sshrl.u32 @!p1 s14, $0xF  }
0x34: {  	s16 =	sshrl.u32 @!p1 s16, $0xF;
	s18 =	ssub.s32 @!p1 s19, s20;
	s19 =	smulhi.u32 @!p1 $0x71C71D, s14  }
0x35: {  	s20 =	sadd.s32 @!p1 $0xFFFFFE40, s17;
	s17 =	ssub.s32 @!p1 $0x240, s17;
	s16 =	smul.u32 @!p1 $0xC000, s16  }
0x36: {  	s21 =	sadd.s32 @!p1 $0xFFFF4080, s18;
	p2 =	sgt.s32 @!p1 s20, $0x7F;
	s18 =	ssub.s32 @!p1 $0xC000, s18  }
0x37: {  	p3 =	sgt.s32 @!p1 s21, $0x7F;
	s19 =	smul.u32 @!p1 $0x240, s19;
	p2 =	por !p2, p1  }
0x38: {  	s15 =	ssub.s32 @!p1 s15, s16;
	s16 =	sxor.u32 @!p1 $0xFFFFFFFF, s11;
	p3 =	por !p3, p1  }
0x39: {  	s17 =	simm.s32 @!p2 $0x0;
	s16 =	sshll.u32 @!p1 s16, $0xE;
	s18 =	simm.s32 @!p3 $0x0  }
0x3a: {  	s14 =	ssub.s32 @!p1 s14, s19;
	s16 =	sand.u32 @!p1 $0x4000, s16;
	s17 =	smul.u32 @!p1 s17, s18  }
0x3b: {  	s14 =	smul.u32 @!p1 $0x1800, s14;
	s18 =	sshrl.u32 @!p1 s15, $0x3;
	s15 =	sand.u32 @!p1 $0x7, s15  }
0x3c: {  	s18 =	sadd.s32 @!p1 s5, s18;
	s15 =	sshll.u32 @!p1 s15, $0x12;
	s17 =	sand.u32 @!p1 $0x3FFFFFFF, s17  }
0x3d: {  	s14 =	sadd.s32 @!p1 s14, s18;
	s15 =	sor.u32 @!p1 $0x400, s15;
	s18 =	simm.s32 @!p1 $0x60000  }
0x3e: {  	[tilespmem:s16], [sflag:$0x1] =	stream.strided.gather @!p1 [hbm4b:s14+s15], s17, s18, s15, $0x38;
	[tilespmem:$0x10100] =	vst v63  }
0x3f: {  	p1 =	sge.u32 s31, s4  }
.Ltmp2:
0x40: {  	_ = 	snop;
	(pc) =	sbr.rel @p1 .LBB1_5-.Ltmp2, $1  }
0x41: {  	_ =	sdelay $0x3  }
0x42: {  	p1 =	sgt.s32 s12, $0x1C0  }
0x43: {  	s14 =	smov.u32 s12;
	s15 =	sshra.s32 s12, $0x1F;
	s16 =	smov.u32 s13  }
0x44: {  	s17 =	sshra.s32 s13, $0x1F;
	s14 =	simm.s32 @!p1 $0x1C0;
	p1 =	sgt.s32 s13, $0xBF80  }
0x45: {  	s15 =	sand.u32 s15, s12;
	s27 =	sand.u32 s17, s13;
	s16 =	simm.s32 @!p1 $0xBF80  }
0x46: {  	s14 =	ssub.s32 s14, s15;
	s15 =	ssub.s32 s16, s27  }
0x47: {  	s28 =	sadd.s32 $0xFFFFFE40, s14;
	s14 =	ssub.s32 $0x240, s14;
	s16 =	sadd.s32 $0xFFFF4080, s15  }
0x48: {  	p1 =	sgt.s32 s28, $0x7F;
	s15 =	ssub.s32 $0xC000, s15;
	p2 =	sgt.s32 s16, $0x7F  }
0x49: {  	s14 =	simm.s32 @p1 $0x0;
	s15 =	simm.s32 @p2 $0x0  }
0x4a: {  	s14 =	smul.u32 s14, s15;
	_ =	sdelay $0x1  }
0x4b: {  	s15 =	simm.s32 $0x1;
	s14 =	sand.u32 $0x3FFFFFFF, s14  }
0x4c: {  	s15 =	simm.s32 @!p0 $0x0;
	_ =	swait.ge [sflag:s3], s14  }
0x4d: {  	s29 =	sshll.u32 s15, $0xE;
	s14 =	ssub.s32 $0x0, s14;
	[sflag:s3] =	ssyncset.done $0x0  }
0x4e: {  	s16 =	sor.u32 $0x40, s29;
	[sflag:s3] =	ssyncadd.s32 s14  }
0x4f: {  	s30 =	smul.u32 $0x10200, s15;
	v0 =	vld [tilespmem:s16+$0x30]  }
0x50: {  	v1 =	vld [tilespmem:s16+$0xFFFFFFD0]  }
0x51: {  	s14 =	sshrl.u32 s30, $0x2;
	v5 =	vld [tilespmem:s16+$0xFFFFFFE0]  }
0x52: {  	s15 =	sor.u32 $0x8000, s14;
	v6 =	vld [tilespmem:s16+$0xFFFFFFF0]  }
0x53: {  	s31 =	sand.u32 $0x1, s11;
	v4 =	vld [tilespmem:s16+$0x0];
	s17 =	sadd.s32 $0x0, s15  }
0x54: {  	s14 =	smul.u32 $0x10200, s31;
	v3 =	vld [tilespmem:s16+$0x10];
	[tilespmem:s17+$0x3870 ss:$0x81] =	vst.msk $0xffff, v0  }
0x55: {  	v2 =	vld [tilespmem:s16+$0x20];
	[tilespmem:s17+$0x810 ss:$0x81] =	vst.msk $0xffff, v1  }
0x56: {  	s14 =	sshrl.u32 s14, $0x2;
	v0 =	vld [tilespmem:s16+$0xFFFFFFC0];
	[tilespmem:s17+$0x1020 ss:$0x81] =	vst.msk $0xffff, v5;
	s16 =	sadd.s32 $0x80, s16  }
0x57: {  	s18 =	simm.s32 $0x4;
	s19 =	simm.s32 $0x8;
	s14 =	sor.u32 $0x8000, s14;
	[tilespmem:s17+$0x1830 ss:$0x81] =	vst.msk $0xffff, v6;
	v1 =	vld [tilespmem:s16+$0x30]  }
.LBB1_3:
0x58: {  	p1 =	sne.s32 s19, $0x1FC;
	v5 =	vld [tilespmem:s16+$0xFFFFFFD0];
	[tilespmem:s17+$0x2040 ss:$0x81] =	vst.msk $0xffff, v4  }
0x59: {  	v6 =	vld [tilespmem:s16+$0xFFFFFFE0];
	[tilespmem:s17+$0x2850 ss:$0x81] =	vst.msk $0xffff, v3  }
0x5a: {  	s20 =	sshra.s32 s18, $0x2;
	s18 =	smov.u32 s19;
	v7 =	vld [tilespmem:s16+$0xFFFFFFF0];
	[tilespmem:s17+$0x3060 ss:$0x81] =	vst.msk $0xffff, v2  }
.Ltmp3:
0x5b: {  	v4 =	vld [tilespmem:s16+$0x0];
	[tilespmem:s17+$0x0 ss:$0x81] =	vst.msk $0xffff, v0;
	s17 =	sadd.s32 s20, s15;
	(pc) =	sbr.rel @p1 .LBB1_3-.Ltmp3, $4  }
0x5c: {  	v3 =	vld [tilespmem:s16+$0x10];
	[tilespmem:s17+$0x3870 ss:$0x81] =	vst.msk $0xffff, v1  }
0x5d: {  	[tilespmem:s17+$0x810 ss:$0x81] =	vst.msk $0xffff, v5;
	v2 =	vld [tilespmem:s16+$0x20]  }
0x5e: {  	v0 =	vld [tilespmem:s16+$0xFFFFFFC0];
	[tilespmem:s17+$0x1020 ss:$0x81] =	vst.msk $0xffff, v6;
	s16 =	sadd.s32 $0x80, s16  }
0x5f: {  	s19 =	sadd.s32 $0x4, s19;
	v1 =	vld [tilespmem:s16+$0x30];
	[tilespmem:s17+$0x1830 ss:$0x81] =	vst.msk $0xffff, v7  }
.Ltmp4:
0x60: {  	_ = 	snop;
	(pc) =	sbr.rel .LBB1_4-.Ltmp4, $1  }
0x61: {  	_ =	sdelay $0x3  }
.LBB1_6:
0x62: {  	_ =	sfence.sel $0x180000  }
0x63: {  	s2 =	simm.s32 $0x1;
	[bflag:$0x0] =	sbarrier.arrive $0xFFFF  }
0x64: {  	s31 =	simm.s32 $0x2;
	[sflag:s2] =	ssyncpa.u1 $0x1  }
0x65: {  	[sflag:s31] =	ssyncpa.u1 $0x1  }
0x66: {  	p0 =	sne.s32 s0, $0x0;
	_ =	strace $0x9000004A  }
0x67: {  	s0 =	sadd.s32 @!p0 $0x100000, s1;
	[bflag:$0x2] =	sbarrier.arrive $0xFFFF  }
0x68: {  	[sflag:s0] =	ssyncadd.tile.s32 @!p0 $0x1;
	_ =	shalt  }
.Lfunc_end1:
_tile_overlayer_lowered:
.L_overlay_start_2:
0x69: {  	(tag) =	ssettag $0x2  }
0x6a: {  	s0 =	rddreg [dreg:$0x0];
	s2 =	stileid.u32  }
0x6b: {  	s1 =	rddreg [dreg:$0x1];
	p0 =	sne.s32 s2, $0x0  }
0x6c: {  	s3 =	rddreg [dreg:$0x2];
	[bflag:$0x3] =	sbarrier.arrive $0xFFFF;
	s2 =	simm.s32 @!p0 $0x1C01  }
0x6d: {  	[timem:s3], [sflag:s2] =	dma.local @!p0 [hbm:s0], s1  }
0x6e: {  	s0 =	simm.s32 @!p0 $0x1  }
0x6f: {  	_ =	swait.ge @!p0 [sflag:s0], s1  }
0x70: {  	s1 =	ssub.s32 @!p0 $0x0, s1;
	[sflag:s0] =	ssyncset.done @!p0 $0x0  }
0x71: {  	[sflag:s0] =	ssyncadd.s32 @!p0 s1  }
0x72: {  	[bflag:$0x3] =	sbarrier.arrive $0xFFFF  }
0x73: {  	_ =	shalt  }

// kernel: sparse-core-data-format-call.4.cloned.1.call-start
scs
called_computation.4_lowered:
.L_overlay_start_0:
0x0: {  	s1 =	sld [smem:$0x3FD9]  }
0x1: {  	s2 =	sld [smem:$0x3FFE];
	_ =	sdelay $0x1  }
0x2: {  	s3 =	srdreg.scid  }
0x3: {  	s0 =	sand.u32 $0x1, s3  }
0x4: {  	s17 =	sshll.u32 s0, $0xA;
	s1 =	sadd.s32 s2, s1  }
0x5: {  	s1 =	sadd.s32 s1, s17  }
0x6: {  	[smem:$0x3FC7] =	sst s1  }
0x7: {  	_ = 	snop  }
0x8: {  	(tm) =	ssettm $0x1  }
0x9: {  	s18 =	sld [smem:$0x3FFB];
	_ =	sdelay $0x3  }
0xa: {  	_ =	strace s18  }
0xb: {  	s1 =	sld [smem:$0x3FFC];
	_ =	sdelay $0x3  }
0xc: {  	_ =	strace s1  }
0xd: {  	s1 =	sld [smem:$0x3FFD];
	_ =	sdelay $0x3  }
0xe: {  	_ =	strace s1  }
0xf: {  	_ =	strace $0x8FFFFFFF  }
0x10: {  	s19 =	sld [smem:$0x3FDB];
	_ =	sdelay $0x1  }
0x11: {  	s20 =	simm.s32 $_scs_section_size  }
0x12: {  	s4 =	simm.s32 $_size__tile_overlayer_lowered;
	s5 =	simm.s32 $_tile_overlayer_lowered  }
0x13: {  	s23 =	simm.s32 $0x1BFF;
	s22 =	sshll.u32 s5, $0x1;
	s1 =	sadd.s32 s20, s19  }
0x14: {  	s6 =	simm.s32 $0x0;
	s21 =	sshll.u32 s4, $0x1;
	s4 =	sadd.s32 s22, s1  }
0x15: {  	[timem:s6], [sflag:s23] =	dma.local [hbm:s4], s21  }
0x16: {  	_ =	swait.ge [sflag:s23], s21  }
0x17: {  	s2 =	ssub.s32 $0x0, s21;
	[sflag:s23] =	ssyncset.done $0x0  }
0x18: {  	[sflag:s23] =	ssyncadd.s32 s2;
	_ =	sdelay $0x1  }
0x19: {  	s24 =	simm.s32 $0x1B8B  }
0x1a: {  	_ =	swait.ge [sflag:s24], $0x1  }
0x1b: {  	[sflag:s24] =	ssyncset.done $0x0  }
0x1c: {  	s26 =	simm.s32 $0x1B8E;
	s25 =	sld [smem:$0x3FFE];
	[sflag:s24] =	ssyncadd.s32 $0xFFFFFFFF  }
0x1d: {  	s27 =	simm.s32 $execute0_lowered;
	[smem:$0x3FD2] =	sst s26  }
0x1e: {  	s4 =	sshll.u32 s27, $0x1;
	_ =	strace $0x80000046;
	[dreg:$0x1] =	wrdreg $0xFFFFFFFF  }
0x1f: {  	s28 =	simm.s32 $_size_execute0_lowered;
	s1 =	sadd.s32 s1, s4;
	[dreg:$0x0] =	wrdreg $0x0  }
0x20: {  	s4 =	sshll.u32 s28, $0x1;
	[dreg:$0x2] =	wrdreg s1  }
0x21: {  	[dreg:$0x3] =	wrdreg s4  }
0x22: {  	[dreg:$0x4] =	wrdreg $0xC0  }
0x23: {  	_ =	task [dreg:s6], $0x5FFFF  }
0x24: {  	[dreg:$0x1] =	wrdreg $0xFFFFFFFF  }
0x25: {  	[dreg:$0x0] =	wrdreg $0x60  }
0x26: {  	[dreg:$0x2] =	wrdreg s25  }
0x27: {  	[dreg:$0x3] =	wrdreg $0x9  }
0x28: {  	_ =	task.clear_ibuf [dreg:s6], $0x4FFFF;
	_ =	strace $0x90000046  }
0x29: {  	s29 =	simm.s32 $0x9;
	_ =	strace $0x80000048  }
0x2a: {  	_ =	swait.ge [sflag:s29], $0x1  }
0x2b: {  	[sflag:s29] =	ssyncadd.s32 $0xFFFFFFFF  }
0x2c: {  	_ =	strace $0x90000048  }
0x2d: {  	_ =	sfence  }
0x2e: {  	s30 =	sld [smem:$0x0];
	_ =	sdelay $0x2  }
0x2f: {  	s31 =	sshll.u32 s3, $0xD;
	s3 =	sshrl.u32 s3, $0x2  }
0x30: {  	s2 =	sand.u32 $0x4000, s31;
	s1 =	sadd.s32 s3, s30  }
0x31: {  	s0 =	sor.u32 s2, s0;
	s1 =	sshll.u32 s1, $0x11  }
0x32: {  	s0 =	sor.u32 s1, s0  }
0x33: {  	s0 =	sadd.s32 $0x8F2B, s0  }
0x34: {  	[sflag:s0] =	ssyncadd.remote.s32 $0x1  }
0x35: {  	_ =	sfence.sel $0xFFFF  }
0x36: {  	[dreg:$0x0] =	wrdreg $0xFFFFFFFF;
	(pc) =	sbr.abs _section_cstart, $3  }
0x37: {  	[dreg:$0x1] =	wrdreg $0xFFFFFFFF  }
0x38: {  	_ =	task.clear_ibuf [dreg:s6], $0x2FFFF;
	_ =	strace $0x9FFFFFFF  }
0x39: {  	(tm) =	ssettm $0x7FFFFFFF  }
tec
execute0_lowered:
.L_overlay_start_1:
0x0: {  	(tag) =	ssettag $0x1  }
0x1: {  	s1 =	srdreg.scid;
	s0 =	stileid.u32  }
0x2: {  	s6 =	rddreg [dreg:$0x0];
	s4 =	simm.s32 $0x1;
	s1 =	sshll.u32 s1, $0x4  }
0x3: {  	s8 =	simm.s32 $0x2;
	s17 =	simm.s32 $0x0;
	s1 =	sor.u32 s0, s1  }
0x4: {  	s9 =	simm.s32 $0x1800;
	s10 =	simm.s32 $0x0;
	s1 =	sshrl.u32 s1, $0x2  }
0x5: {  	s16 =	simm.s32 $0x0;
	s19 =	simm.s32 $0x0;
	s2 =	sand.u32 $0x6, s1  }
0x6: {  	s18 =	simm.s32 $0x0;
	s11 =	simm.s32 $0x0;
	s3 =	ssub.s32 $0x8, s2  }
0x7: {  	s12 =	simm.s32 $0x0;
	s15 =	simm.s32 $0x0;
	s31 =	sand.u32 $0x6, s3  }
0x8: {  	s26 =	simm.s32 $0x0;
	s7 =	sand.u32 $0x7, s0;
	p0 =	sne.s32 s31, $0x0  }
.Ltmp0:
0x9: {  	s3 =	sshrl.u32 s3, $0x3;
	s4 =	simm.s32 @!p0 $0x0;
	(pc) =	sbr.rel .LBB1_1-.Ltmp0, $4  }
0xa: {  	s14 =	smov.u32 s7;
	s1 =	rddreg [dreg:$0x1];
	s5 =	sadd.s32 s4, s3  }
0xb: {  	_ =	strace $0x80000047;
	s4 =	simm.s32 $0x1;
	s5 =	smul.u32 $0x36, s5  }
0xc: {  	s13 =	smov.u32 s2;
	s3 =	sadd.s32 $0x1A00, s6;
	[sflag:s4] =	ssyncpa.u1 $0x0  }
0xd: {  	s6 =	sadd.s32 $0x361A00, s6;
	[sflag:s8] =	ssyncpa.u1 $0x0;
	s8 =	sor.u32 $0x1, s5  }
.LBB1_7:
0xe: {  	s20 =	sadd.s32 $0x80, s11  }
0xf: {  	s16 =	sadd.s32 $0x40, s12;
	s21 =	smov.u32 s12;
	p1 =	sgt.s32 s20, $0x2FF  }
0x10: {  	s21 =	smov.u32 @p1 s16  }
0x11: {  	s22 =	smov.u32 s13;
	s16 =	sadd.s32 $0x8, s13;
	p2 =	sgt.s32 s21, $0x3F  }
0x12: {  	s22 =	smov.u32 @p2 s16  }
0x13: {  	s23 =	smov.u32 s14;
	s16 =	sadd.s32 $0x8, s14;
	p3 =	sgt.s32 s22, $0x7  }
0x14: {  	p0 =	slt.u32 s15, $0x2;
	s23 =	smov.u32 @p3 s16  }
0x15: {  	s17 =	smov.u32 s11;
	s20 =	simm.s32 @p1 $0x0;
	p1 =	sgt.s32 s23, $0x47  }
0x16: {  	s24 =	simm.s32 @!p0 $0x2;
	s23 =	smov.u32 @p1 s7;
	p1 =	sne.s32 s15, s8  }
.Ltmp1:
0x17: {  	s19 =	smov.u32 s13;
	_ =	swait.ge @!p0 [sflag:s24], $0x4000;
	(pc) =	sbr.rel @!p1 .LBB1_8-.Ltmp1, $4  }
0x18: {  	s18 =	smov.u32 s14;
	s10 =	sadd.s32 $0x4000, s10;
	[sflag:s24] =	ssyncset.done @!p0 $0x0  }
0x19: {  	s11 =	smov.u32 s20;
	s21 =	simm.s32 @p2 $0x0;
	[sflag:s24] =	ssyncadd.s32 @!p0 $0xFFFFC000  }
0x1a: {  	s22 =	smov.u32 @p3 s2;
	s16 =	smov.u32 s12;
	s12 =	smov.u32 s21  }
0x1b: {  	s13 =	smov.u32 s22;
	s15 =	sadd.s32 $0x1, s15;
	s14 =	smov.u32 s23  }
.LBB1_1:
0x1c: {  	p0 =	sge.u32 s15, s5  }
0x1d: {  	s20 =	sshrl.u32 @!p0 s12, $0x3  }
0x1e: {  	s21 =	sshll.u32 @!p0 s11, $0x3;
	s20 =	smul.u32 @!p0 $0x1800, s20  }
0x1f: {  	s22 =	sshll.u32 @!p0 s12, $0x7;
	s21 =	sand.u32 @!p0 $0xFFFFFC00, s21  }
0x20: {  	s20 =	sadd.s32 @!p0 s20, s21;
	s21 =	sand.u32 @!p0 $0x380, s22  }
0x21: {  	s22 =	sand.u32 @!p0 $0x7F, s11;
	s20 =	sor.u32 @!p0 s21, s20  }
0x22: {  	s21 =	sor.u32 @!p0 s22, s20  }
0x23: {  	s22 =	smulhi.u32 @!p0 $0xAAAAAAAB, s21  }
0x24: {  	s20 =	smulhi.u32 @!p0 $0xAAAAAAAB, s20  }
0x25: {  	s31 =	sadd.s32 $0xFFFFFFFF, s15;
	s24 =	smul.u32 @!p0 $0xC000, s14;
	s22 =	sshrl.u32 @!p0 s22, $0x9  }
0x26: {  	s23 =	sxor.u32 @!p0 $0xFFFFFFFF, s15;
	s20 =	sshrl.u32 @!p0 s20, $0x9;
	s22 =	smul.u32 @!p0 $0x300, s22  }
0x27: {  	s25 =	smul.u32 @!p0 $0x1800, s13;
	s23 =	sshll.u32 @!p0 s23, $0xE;
	s20 =	sand.u32 @!p0 $0x3F, s20  }
0x28: {  	s20 =	smul.u32 @!p0 $0x60, s20;
	s21 =	ssub.s32 @!p0 s21, s22;
	s22 =	sadd.s32 @!p0 s3, s24  }
0x29: {  	s23 =	sand.u32 @!p0 $0x4000, s23;
	s22 =	sadd.s32 @!p0 s25, s22;
	s24 =	sand.u32 @!p0 $0x7, s21  }
0x2a: {  	s21 =	sshrl.u32 @!p0 s21, $0x3;
	s20 =	sadd.s32 @!p0 s20, s22;
	s22 =	sshll.u32 @!p0 s24, $0x12  }
0x2b: {  	s20 =	sadd.s32 @!p0 s21, s20;
	s21 =	sor.u32 @!p0 $0x400, s22;
	s22 =	simm.s32 @!p0 $0x1800  }
0x2c: {  	[tilespmem:s23], [sflag:$0x1] =	stream.strided.gather @!p0 [hbm4b:s20+s21], $0x4000, s22, s21, $0x38;
	[tilespmem:$0x10000] =	vst v63  }
0x2d: {  	p0 =	sge.u32 s31, s5  }
.Ltmp2:
0x2e: {  	_ = 	snop;
	(pc) =	sbr.rel @p0 .LBB1_7-.Ltmp2, $1  }
0x2f: {  	_ =	sdelay $0x3  }
0x30: {  	s20 =	sshll.u32 s10, $0x2  }
0x31: {  	_ =	swait.ge [sflag:s4], $0x4000;
	s21 =	sshll.u32 s15, $0xE;
	s23 =	simm.s32 $0x0  }
0x32: {  	p1 =	por $0x1, $0x1;
	s20 =	sand.u32 $0x10000, s20;
	[sflag:s4] =	ssyncset.done $0x0  }
0x33: {  	s21 =	sand.u32 $0x4000, s21;
	s22 =	sshrl.u32 s20, $0x2;
	[sflag:s4] =	ssyncadd.s32 $0xFFFFC000  }
0x34: {  	s20 =	sor.u32 $0x8000, s21;
	s21 =	sadd.s32 $0x8040, s22;
	s22 =	sadd.s32 $0x40, s22  }
.LBB1_3:
0x35: {  	s24 =	sshll.u32 s23, $0xD  }
0x36: {  	s24 =	sand.u32 $0x3FFFE000, s24  }
0x37: {  	s24 =	sadd.s32 s24, s22  }
0x38: {  	v0 =	vmov s24;
	_ =	sdelay $0x4  }
0x39: {  	v6 =	vld.idx.msk [tilespmem:v0+s26+$0x30 ss:$0x1], $0xffff  }
0x3a: {  	v7 =	vld.idx.msk [tilespmem:v0+s26+$0xFFFFFFC0 ss:$0x1], $0xffff  }
0x3b: {  	v1 =	vld.idx.msk [tilespmem:v0+s26+$0xFFFFFFD0 ss:$0x1], $0xffff  }
0x3c: {  	s31 =	sshll.u32 s23, $0x7;
	v2 =	vld.idx.msk [tilespmem:v0+s26+$0xFFFFFFE0 ss:$0x1], $0xffff  }
0x3d: {  	s23 =	sand.u32 $0x3FFFFF80, s31;
	v3 =	vld.idx.msk [tilespmem:v0+s26+$0xFFFFFFF0 ss:$0x1], $0xffff  }
0x3e: {  	s23 =	sadd.s32 s23, s21;
	v4 =	vld.idx.msk [tilespmem:v0+s26+$0x0 ss:$0x1], $0xffff  }
0x3f: {  	v5 =	vld.idx.msk [tilespmem:v0+s26+$0x10 ss:$0x1], $0xffff;
	[tilespmem:s23+$0x30] =	vst v6  }
0x40: {  	p0 =	por p1, p1;
	s25 =	simm.s32 $0x400;
	s24 =	simm.s32 $0x80;
	[tilespmem:s23+$0xFFFFFFC0] =	vst v7;
	v6 =	vld.idx.msk [tilespmem:v0+s26+$0x20 ss:$0x1], $0xffff  }
.LBB1_4:
0x41: {  	p1 =	sne.s32 s25, $0x7E00;
	v7 =	vld.idx.msk [tilespmem:v0+s24+$0x30 ss:$0x1], $0xffff;
	[tilespmem:s23+$0xFFFFFFD0] =	vst v1  }
0x42: {  	v8 =	vld.idx.msk [tilespmem:v0+s24+$0xFFFFFFC0 ss:$0x1], $0xffff;
	[tilespmem:s23+$0xFFFFFFE0] =	vst v2  }
0x43: {  	v1 =	vld.idx.msk [tilespmem:v0+s24+$0xFFFFFFD0 ss:$0x1], $0xffff;
	[tilespmem:s23+$0xFFFFFFF0] =	vst v3  }
.Ltmp3:
0x44: {  	v2 =	vld.idx.msk [tilespmem:v0+s24+$0xFFFFFFE0 ss:$0x1], $0xffff;
	[tilespmem:s23+$0x0] =	vst v4;
	(pc) =	sbr.rel @p1 .LBB1_4-.Ltmp3, $4  }
0x45: {  	v3 =	vld.idx.msk [tilespmem:v0+s24+$0xFFFFFFF0 ss:$0x1], $0xffff;
	[tilespmem:s23+$0x10] =	vst v5  }
0x46: {  	v4 =	vld.idx.msk [tilespmem:v0+s24+$0x0 ss:$0x1], $0xffff;
	[tilespmem:s23+$0x20] =	vst v6;
	s23 =	sadd.s32 $0x100, s23  }
0x47: {  	v5 =	vld.idx.msk [tilespmem:v0+s24+$0x10 ss:$0x1], $0xffff;
	[tilespmem:s23+$0x30] =	vst v7  }
0x48: {  	[tilespmem:s23+$0xFFFFFFC0] =	vst v8;
	v6 =	vld.idx.msk [tilespmem:v0+s24+$0x20 ss:$0x1], $0xffff;
	s24 =	sshra.s32 s25, $0x2;
	s25 =	sadd.s32 $0x200, s25  }
0x49: {  	_ =	sdelay $0x2  }
0x4a: {  	[tilespmem:s23+$0xFFFFFFD0] =	vst v1  }
0x4b: {  	v56 =	vld.idx.msk [tilespmem:v0+s24+$0x30 ss:$0x1], $0xffff;
	[tilespmem:s23+$0xFFFFFFE0] =	vst v2  }
0x4c: {  	v57 =	vld.idx.msk [tilespmem:v0+s24+$0xFFFFFFC0 ss:$0x1], $0xffff;
	[tilespmem:s23+$0xFFFFFFF0] =	vst v3  }
0x4d: {  	v58 =	vld.idx.msk [tilespmem:v0+s24+$0xFFFFFFD0 ss:$0x1], $0xffff;
	[tilespmem:s23+$0x0] =	vst v4  }
0x4e: {  	v59 =	vld.idx.msk [tilespmem:v0+s24+$0xFFFFFFE0 ss:$0x1], $0xffff;
	[tilespmem:s23+$0x10] =	vst v5  }
0x4f: {  	v60 =	vld.idx.msk [tilespmem:v0+s24+$0xFFFFFFF0 ss:$0x1], $0xffff;
	s31 =	sadd.s32 $0x100, s23;
	[tilespmem:s23+$0x20] =	vst v6  }
0x50: {  	v61 =	vld.idx.msk [tilespmem:v0+s24+$0x0 ss:$0x1], $0xffff;
	[tilespmem:s31+$0x30] =	vst v56  }
0x51: {  	v62 =	vld.idx.msk [tilespmem:v0+s24+$0x10 ss:$0x1], $0xffff;
	[tilespmem:s31+$0xFFFFFFC0] =	vst v57  }
0x52: {  	v63 =	vld.idx.msk [tilespmem:v0+s24+$0x20 ss:$0x1], $0xffff;
	[tilespmem:s31+$0xFFFFFFD0] =	vst v58  }
.Ltmp4:
0x53: {  	[tilespmem:s31+$0xFFFFFFE0] =	vst v59;
	(pc) =	sbr.rel @p0 .LBB1_3-.Ltmp4, $4  }
0x54: {  	[tilespmem:s31+$0xFFFFFFF0] =	vst v60  }
0x55: {  	[tilespmem:s31+$0x0] =	vst v61  }
0x56: {  	[tilespmem:s31+$0x10] =	vst v62  }
0x57: {  	p1 =	por $0x0, $0x0;
	s23 =	simm.s32 $0x1;
	[tilespmem:s31+$0x20] =	vst v63  }
0x58: {  	s21 =	sshrl.u32 s19, $0x3  }
0x59: {  	s22 =	sshll.u32 s17, $0x3;
	s21 =	smul.u32 $0x1800, s21  }
0x5a: {  	s27 =	sshll.u32 s19, $0x7;
	s22 =	sand.u32 $0xFFFFFC00, s22  }
0x5b: {  	s19 =	sand.u32 $0x380, s27;
	s21 =	sadd.s32 s21, s22  }
0x5c: {  	s28 =	sand.u32 $0x7F, s17;
	s19 =	sor.u32 s19, s21  }
0x5d: {  	s17 =	sor.u32 s28, s19;
	s19 =	smulhi.u32 $0xAAAAAAAB, s19  }
0x5e: {  	s29 =	smulhi.u32 $0xAAAAAAAB, s17  }
0x5f: {  	s18 =	smul.u32 $0xC000, s18  }
0x60: {  	s16 =	smul.u32 $0x300, s16;
	s19 =	sshrl.u32 s19, $0x9;
	s21 =	sshrl.u32 s29, $0x9  }
0x61: {  	s19 =	sand.u32 $0x7, s19;
	s21 =	smul.u32 $0x300, s21  }
0x62: {  	s19 =	smul.u32 $0x60, s19  }
.Ltmp5:
0x63: {  	s18 =	sadd.s32 s6, s18;
	s17 =	ssub.s32 s17, s21;
	(pc) =	sbr.rel .LBB1_7-.Ltmp5, $4  }
0x64: {  	s16 =	sadd.s32 s16, s18;
	s30 =	sand.u32 $0x7, s17  }
0x65: {  	s16 =	sadd.s32 s19, s16;
	s17 =	sshrl.u32 s17, $0x3;
	s18 =	sshll.u32 s30, $0x12  }
0x66: {  	s16 =	sadd.s32 s17, s16;
	s31 =	sor.u32 $0x100, s18  }
0x67: {  	[hbm4b:s16+s31] =	stream.strided.scatter [tilespmem:s20], [sflag:$0x2], $0x4000, s9, s31, $0x38;
	[tilespmem:$0x10000] =	vst v63  }
.LBB1_8:
0x68: {  	_ =	sfence.sel $0x180000  }
0x69: {  	s2 =	simm.s32 $0x1;
	[bflag:$0x0] =	sbarrier.arrive $0xFFFF  }
0x6a: {  	s31 =	simm.s32 $0x2;
	[sflag:s2] =	ssyncpa.u1 $0x1  }
0x6b: {  	[sflag:s31] =	ssyncpa.u1 $0x1  }
0x6c: {  	p0 =	sne.s32 s0, $0x0;
	_ =	strace $0x90000047  }
0x6d: {  	s0 =	sadd.s32 @!p0 $0x100000, s1;
	[bflag:$0x2] =	sbarrier.arrive $0xFFFF  }
0x6e: {  	[sflag:s0] =	ssyncadd.tile.s32 @!p0 $0x1;
	_ =	shalt  }
.Lfunc_end1:
_tile_overlayer_lowered:
.L_overlay_start_2:
0x6f: {  	(tag) =	ssettag $0x2  }
0x70: {  	s0 =	rddreg [dreg:$0x0];
	s2 =	stileid.u32  }
0x71: {  	s1 =	rddreg [dreg:$0x1];
	p0 =	sne.s32 s2, $0x0  }
0x72: {  	s3 =	rddreg [dreg:$0x2];
	[bflag:$0x3] =	sbarrier.arrive $0xFFFF;
	s2 =	simm.s32 @!p0 $0x1C01  }
0x73: {  	[timem:s3], [sflag:s2] =	dma.local @!p0 [hbm:s0], s1  }
0x74: {  	s0 =	simm.s32 @!p0 $0x1  }
0x75: {  	_ =	swait.ge @!p0 [sflag:s0], s1  }
0x76: {  	s1 =	ssub.s32 @!p0 $0x0, s1;
	[sflag:s0] =	ssyncset.done @!p0 $0x0  }
0x77: {  	[sflag:s0] =	ssyncadd.s32 @!p0 s1  }
0x78: {  	[bflag:$0x3] =	sbarrier.arrive $0xFFFF  }
0x79: {  	_ =	shalt  }

// kernel: sparse-core-data-format-call.cloned.1.call-start
scs
called_computation_lowered:
.L_overlay_start_0:
0x0: {  	s2 =	sld [smem:$0x3FD9]  }
0x1: {  	s3 =	sld [smem:$0x3FFE];
	_ =	sdelay $0x1  }
0x2: {  	s1 =	srdreg.scid  }
0x3: {  	s0 =	sand.u32 $0x1, s1  }
0x4: {  	s18 =	sshll.u32 s0, $0xA;
	s2 =	sadd.s32 s3, s2  }
0x5: {  	s2 =	sadd.s32 s2, s18  }
0x6: {  	[smem:$0x3FC7] =	sst s2  }
0x7: {  	_ = 	snop  }
0x8: {  	s2 =	sld [smem:$0x3FD0];
	(tm) =	ssettm $0x1  }
0x9: {  	s19 =	sld [smem:$0x3FFB];
	_ =	sdelay $0x3  }
0xa: {  	_ =	strace s19  }
0xb: {  	s3 =	sld [smem:$0x3FFC];
	_ =	sdelay $0x3  }
0xc: {  	_ =	strace s3  }
0xd: {  	s3 =	sld [smem:$0x3FFD];
	_ =	sdelay $0x3  }
0xe: {  	_ =	strace s3  }
0xf: {  	_ =	strace $0x8FFFFFFF  }
0x10: {  	s20 =	sld [smem:$0x3FDB];
	_ =	sdelay $0x1  }
0x11: {  	s4 =	simm.s32 $_scs_section_size  }
0x12: {  	s5 =	simm.s32 $_size__tile_overlayer_lowered;
	s6 =	simm.s32 $_tile_overlayer_lowered  }
0x13: {  	s23 =	simm.s32 $0x1BFF;
	s22 =	sshll.u32 s6, $0x1;
	s3 =	sadd.s32 s4, s20  }
0x14: {  	s7 =	simm.s32 $0x0;
	s21 =	sshll.u32 s5, $0x1;
	s5 =	sadd.s32 s22, s3  }
0x15: {  	[timem:s7], [sflag:s23] =	dma.local [hbm:s5], s21  }
0x16: {  	_ =	swait.ge [sflag:s23], s21  }
0x17: {  	s4 =	ssub.s32 $0x0, s21;
	[sflag:s23] =	ssyncset.done $0x0  }
0x18: {  	[sflag:s23] =	ssyncadd.s32 s4;
	_ =	sdelay $0x1  }
0x19: {  	s24 =	simm.s32 $0x1B8B  }
0x1a: {  	_ =	swait.ge [sflag:s24], $0x1  }
0x1b: {  	[sflag:s24] =	ssyncset.done $0x0  }
0x1c: {  	s26 =	simm.s32 $0x1B8E;
	s25 =	sld [smem:$0x3FFE];
	[sflag:s24] =	ssyncadd.s32 $0xFFFFFFFF  }
0x1d: {  	s27 =	simm.s32 $execute0_lowered;
	[smem:$0x3FD2] =	sst s26  }
0x1e: {  	s5 =	sshll.u32 s27, $0x1;
	_ =	strace $0x80000055;
	[dreg:$0x1] =	wrdreg $0xFFFFFFFF  }
0x1f: {  	s28 =	simm.s32 $_size_execute0_lowered;
	s3 =	sadd.s32 s3, s5;
	[dreg:$0x0] =	wrdreg $0x0  }
0x20: {  	s5 =	sshll.u32 s28, $0x1;
	[dreg:$0x2] =	wrdreg s3  }
0x21: {  	[dreg:$0x3] =	wrdreg s5  }
0x22: {  	[dreg:$0x4] =	wrdreg $0xC0  }
0x23: {  	_ =	task [dreg:s7], $0x5FFFF  }
0x24: {  	[dreg:$0x1] =	wrdreg $0xFFFFFFFF  }
0x25: {  	[dreg:$0x0] =	wrdreg $0x60  }
0x26: {  	[dreg:$0x2] =	wrdreg s25  }
0x27: {  	[dreg:$0x3] =	wrdreg s2  }
0x28: {  	[dreg:$0x4] =	wrdreg $0x9  }
0x29: {  	_ =	task.clear_ibuf [dreg:s7], $0x5FFFF;
	_ =	strace $0x90000055  }
0x2a: {  	s29 =	simm.s32 $0x9;
	_ =	strace $0x80000057  }
0x2b: {  	_ =	swait.ge [sflag:s29], $0x1  }
0x2c: {  	[sflag:s29] =	ssyncadd.s32 $0xFFFFFFFF  }
0x2d: {  	_ =	strace $0x90000057  }
0x2e: {  	_ =	sfence  }
0x2f: {  	s30 =	sld [smem:$0x0];
	_ =	sdelay $0x2  }
0x30: {  	s31 =	sshll.u32 s1, $0xD;
	s1 =	sshrl.u32 s1, $0x2  }
0x31: {  	s3 =	sand.u32 $0x4000, s31;
	s1 =	sadd.s32 s1, s30  }
0x32: {  	s0 =	sor.u32 s3, s0;
	s1 =	sshll.u32 s1, $0x11  }
0x33: {  	s0 =	sor.u32 s1, s0  }
0x34: {  	s0 =	sadd.s32 $0x8F2B, s0  }
0x35: {  	[sflag:s0] =	ssyncadd.remote.s32 $0x1  }
0x36: {  	_ =	sfence.sel $0xFFFF  }
0x37: {  	[dreg:$0x0] =	wrdreg $0xFFFFFFFF;
	(pc) =	sbr.abs _section_cstart, $3  }
0x38: {  	[dreg:$0x1] =	wrdreg $0xFFFFFFFF  }
0x39: {  	_ =	task.clear_ibuf [dreg:s7], $0x2FFFF;
	_ =	strace $0x9FFFFFFF  }
0x3a: {  	(tm) =	ssettm $0x7FFFFFFF  }
0x3b: {  	_ =	shalt  }
tec
execute0_lowered:
.L_overlay_start_1:
0x0: {  	(tag) =	ssettag $0x1  }
0x1: {  	s0 =	srdreg.scid;
	s6 =	rddreg [dreg:$0x0]  }
0x2: {  	s3 =	rddreg [dreg:$0x1];
	s1 =	sshll.u32 s0, $0x4  }
0x3: {  	s7 =	simm.s32 $0x2;
	s0 =	stileid.u32;
	s1 =	sand.u32 $0x10, s1  }
0x4: {  	s17 =	simm.s32 $0x0;
	s8 =	simm.s32 $0x36000;
	s2 =	sor.u32 s0, s1  }
0x5: {  	s9 =	simm.s32 $0x0;
	s15 =	simm.s32 $0x0;
	s1 =	ssub.s32 $0x18, s2  }
0x6: {  	s18 =	simm.s32 $0x0;
	s16 =	simm.s32 $0x0;
	p0 =	sgt.s32 s1, $0x0  }
0x7: {  	s10 =	simm.s32 $0x0;
	s11 =	simm.s32 $0x0;
	s1 =	simm.s32 @!p0 $0x0  }
.Ltmp0:
0x8: {  	s12 =	simm.s32 $0x0;
	s4 =	sadd.s32 $0x1F, s1;
	(pc) =	sbr.rel .LBB1_1-.Ltmp0, $4  }
0x9: {  	s14 =	simm.s32 $0x0;
	s1 =	rddreg [dreg:$0x2];
	s5 =	sshrl.u32 s4, $0x5  }
0xa: {  	_ =	strace $0x80000056;
	s4 =	simm.s32 $0x1;
	s5 =	smul.u32 $0x24, s5  }
0xb: {  	s25 =	simm.s32 $0x0;
	s6 =	sadd.s32 $0x1A00, s6;
	[sflag:s4] =	ssyncpa.u1 $0x0  }
0xc: {  	s13 =	smov.u32 s2;
	[sflag:s7] =	ssyncpa.u1 $0x0;
	s7 =	sor.u32 $0x1, s5  }
.LBB1_7:
0xd: {  	s19 =	sadd.s32 $0x80, s10  }
0xe: {  	s15 =	sadd.s32 $0x40, s11;
	s20 =	smov.u32 s11;
	p1 =	sgt.s32 s19, $0x17F  }
0xf: {  	s20 =	smov.u32 @p1 s15  }
0x10: {  	s21 =	smov.u32 s12;
	s15 =	sadd.s32 $0x2, s12;
	p2 =	sgt.s32 s20, $0x3F  }
0x11: {  	s21 =	smov.u32 @p2 s15  }
0x12: {  	s22 =	smov.u32 s13;
	s15 =	sadd.s32 $0x20, s13;
	p3 =	sgt.s32 s21, $0x17  }
0x13: {  	p0 =	slt.u32 s14, $0x2;
	s22 =	smov.u32 @p3 s15  }
0x14: {  	s17 =	smov.u32 s10;
	s19 =	simm.s32 @p1 $0x0;
	p1 =	sgt.s32 s22, $0x17  }
0x15: {  	s23 =	simm.s32 @!p0 $0x2;
	s22 =	smov.u32 @p1 s2;
	p1 =	sne.s32 s14, s7  }
.Ltmp1:
0x16: {  	s18 =	smov.u32 s12;
	_ =	swait.ge @!p0 [sflag:s23], $0x4000;
	(pc) =	sbr.rel @!p1 .LBB1_8-.Ltmp1, $4  }
0x17: {  	s16 =	smov.u32 s13;
	s9 =	sadd.s32 $0x4000, s9;
	[sflag:s23] =	ssyncset.done @!p0 $0x0  }
0x18: {  	s10 =	smov.u32 s19;
	s20 =	simm.s32 @p2 $0x0;
	[sflag:s23] =	ssyncadd.s32 @!p0 $0xFFFFC000  }
0x19: {  	s21 =	simm.s32 @p3 $0x0;
	s15 =	smov.u32 s11;
	s11 =	smov.u32 s20  }
0x1a: {  	s12 =	smov.u32 s21;
	s14 =	sadd.s32 $0x1, s14;
	s13 =	smov.u32 s22  }
.LBB1_1:
0x1b: {  	p0 =	sge.u32 s14, s5  }
0x1c: {  	s19 =	sshrl.u32 @!p0 s11, $0x3  }
0x1d: {  	s20 =	sshll.u32 @!p0 s10, $0x3;
	s19 =	smul.u32 @!p0 $0xC00, s19  }
0x1e: {  	s21 =	sshll.u32 @!p0 s11, $0x7;
	s20 =	sand.u32 @!p0 $0xFFFFFC00, s20  }
0x1f: {  	s19 =	sadd.s32 @!p0 s19, s20;
	s20 =	sand.u32 @!p0 $0x380, s21  }
0x20: {  	s21 =	sand.u32 @!p0 $0x7F, s10;
	s19 =	sor.u32 @!p0 s20, s19  }
0x21: {  	s20 =	sor.u32 @!p0 s21, s19  }
0x22: {  	s21 =	smulhi.u32 @!p0 $0xAAAAAAAB, s20  }
0x23: {  	s19 =	smulhi.u32 @!p0 $0xAAAAAAAB, s19  }
0x24: {  	s31 =	sadd.s32 $0xFFFFFFFF, s14;
	s23 =	smul.u32 @!p0 $0x12000, s13;
	s21 =	sshrl.u32 @!p0 s21, $0x8  }
0x25: {  	s22 =	sxor.u32 @!p0 $0xFFFFFFFF, s14;
	s19 =	sshrl.u32 @!p0 s19, $0x8;
	s21 =	smul.u32 @!p0 $0x180, s21  }
0x26: {  	s24 =	smul.u32 @!p0 $0xC00, s12;
	s22 =	sshll.u32 @!p0 s22, $0xE;
	s19 =	sand.u32 @!p0 $0x3F, s19  }
0x27: {  	s19 =	smul.u32 @!p0 $0x30, s19;
	s20 =	ssub.s32 @!p0 s20, s21;
	s21 =	sadd.s32 @!p0 s6, s23  }
0x28: {  	s22 =	sand.u32 @!p0 $0x4000, s22;
	s21 =	sadd.s32 @!p0 s24, s21;
	s23 =	sand.u32 @!p0 $0x7, s20  }
0x29: {  	s20 =	sshrl.u32 @!p0 s20, $0x3;
	s19 =	sadd.s32 @!p0 s19, s21;
	s21 =	sshll.u32 @!p0 s23, $0x12  }
0x2a: {  	s19 =	sadd.s32 @!p0 s20, s19;
	s20 =	sor.u32 @!p0 $0x400, s21;
	s21 =	simm.s32 @!p0 $0xC00  }
0x2b: {  	[tilespmem:s22], [sflag:$0x1] =	stream.strided.gather @!p0 [hbm4b:s19+s20], $0x4000, s21, s20, $0x38;
	[tilespmem:$0x10000] =	vst v63  }
0x2c: {  	p0 =	sge.u32 s31, s5  }
.Ltmp2:
0x2d: {  	_ = 	snop;
	(pc) =	sbr.rel @p0 .LBB1_7-.Ltmp2, $1  }
0x2e: {  	_ =	sdelay $0x3  }
0x2f: {  	s19 =	sshll.u32 s9, $0x2  }
0x30: {  	_ =	swait.ge [sflag:s4], $0x4000;
	s20 =	sshll.u32 s14, $0xE;
	s22 =	simm.s32 $0x0  }
0x31: {  	p1 =	por $0x1, $0x1;
	s19 =	sand.u32 $0x10000, s19;
	[sflag:s4] =	ssyncset.done $0x0  }
0x32: {  	s20 =	sand.u32 $0x4000, s20;
	s21 =	sshrl.u32 s19, $0x2;
	[sflag:s4] =	ssyncadd.s32 $0xFFFFC000  }
0x33: {  	s19 =	sor.u32 $0x8000, s20;
	s20 =	sadd.s32 $0x8040, s21;
	s21 =	sadd.s32 $0x40, s21  }
.LBB1_3:
0x34: {  	s23 =	sshll.u32 s22, $0xD  }
0x35: {  	s23 =	sand.u32 $0x3FFFE000, s23  }
0x36: {  	s23 =	sadd.s32 s23, s21  }
0x37: {  	v0 =	vmov s23;
	_ =	sdelay $0x4  }
0x38: {  	v6 =	vld.idx.msk [tilespmem:v0+s25+$0x30 ss:$0x1], $0xffff  }
0x39: {  	v7 =	vld.idx.msk [tilespmem:v0+s25+$0xFFFFFFC0 ss:$0x1], $0xffff  }
0x3a: {  	v1 =	vld.idx.msk [tilespmem:v0+s25+$0xFFFFFFD0 ss:$0x1], $0xffff  }
0x3b: {  	s31 =	sshll.u32 s22, $0x7;
	v2 =	vld.idx.msk [tilespmem:v0+s25+$0xFFFFFFE0 ss:$0x1], $0xffff  }
0x3c: {  	s22 =	sand.u32 $0x3FFFFF80, s31;
	v3 =	vld.idx.msk [tilespmem:v0+s25+$0xFFFFFFF0 ss:$0x1], $0xffff  }
0x3d: {  	s22 =	sadd.s32 s22, s20;
	v4 =	vld.idx.msk [tilespmem:v0+s25+$0x0 ss:$0x1], $0xffff  }
0x3e: {  	v5 =	vld.idx.msk [tilespmem:v0+s25+$0x10 ss:$0x1], $0xffff;
	[tilespmem:s22+$0x30] =	vst v6  }
0x3f: {  	p0 =	por p1, p1;
	s24 =	simm.s32 $0x400;
	s23 =	simm.s32 $0x80;
	[tilespmem:s22+$0xFFFFFFC0] =	vst v7;
	v6 =	vld.idx.msk [tilespmem:v0+s25+$0x20 ss:$0x1], $0xffff  }
.LBB1_4:
0x40: {  	p1 =	sne.s32 s24, $0x7E00;
	v7 =	vld.idx.msk [tilespmem:v0+s23+$0x30 ss:$0x1], $0xffff;
	[tilespmem:s22+$0xFFFFFFD0] =	vst v1  }
0x41: {  	v8 =	vld.idx.msk [tilespmem:v0+s23+$0xFFFFFFC0 ss:$0x1], $0xffff;
	[tilespmem:s22+$0xFFFFFFE0] =	vst v2  }
0x42: {  	v1 =	vld.idx.msk [tilespmem:v0+s23+$0xFFFFFFD0 ss:$0x1], $0xffff;
	[tilespmem:s22+$0xFFFFFFF0] =	vst v3  }
.Ltmp3:
0x43: {  	v2 =	vld.idx.msk [tilespmem:v0+s23+$0xFFFFFFE0 ss:$0x1], $0xffff;
	[tilespmem:s22+$0x0] =	vst v4;
	(pc) =	sbr.rel @p1 .LBB1_4-.Ltmp3, $4  }
0x44: {  	v3 =	vld.idx.msk [tilespmem:v0+s23+$0xFFFFFFF0 ss:$0x1], $0xffff;
	[tilespmem:s22+$0x10] =	vst v5  }
0x45: {  	v4 =	vld.idx.msk [tilespmem:v0+s23+$0x0 ss:$0x1], $0xffff;
	[tilespmem:s22+$0x20] =	vst v6;
	s22 =	sadd.s32 $0x100, s22  }
0x46: {  	v5 =	vld.idx.msk [tilespmem:v0+s23+$0x10 ss:$0x1], $0xffff;
	[tilespmem:s22+$0x30] =	vst v7  }
0x47: {  	[tilespmem:s22+$0xFFFFFFC0] =	vst v8;
	v6 =	vld.idx.msk [tilespmem:v0+s23+$0x20 ss:$0x1], $0xffff;
	s23 =	sshra.s32 s24, $0x2;
	s24 =	sadd.s32 $0x200, s24  }
0x48: {  	_ =	sdelay $0x2  }
0x49: {  	[tilespmem:s22+$0xFFFFFFD0] =	vst v1  }
0x4a: {  	v56 =	vld.idx.msk [tilespmem:v0+s23+$0x30 ss:$0x1], $0xffff;
	[tilespmem:s22+$0xFFFFFFE0] =	vst v2  }
0x4b: {  	v57 =	vld.idx.msk [tilespmem:v0+s23+$0xFFFFFFC0 ss:$0x1], $0xffff;
	[tilespmem:s22+$0xFFFFFFF0] =	vst v3  }
0x4c: {  	v58 =	vld.idx.msk [tilespmem:v0+s23+$0xFFFFFFD0 ss:$0x1], $0xffff;
	[tilespmem:s22+$0x0] =	vst v4  }
0x4d: {  	v59 =	vld.idx.msk [tilespmem:v0+s23+$0xFFFFFFE0 ss:$0x1], $0xffff;
	[tilespmem:s22+$0x10] =	vst v5  }
0x4e: {  	v60 =	vld.idx.msk [tilespmem:v0+s23+$0xFFFFFFF0 ss:$0x1], $0xffff;
	s31 =	sadd.s32 $0x100, s22;
	[tilespmem:s22+$0x20] =	vst v6  }
0x4f: {  	v61 =	vld.idx.msk [tilespmem:v0+s23+$0x0 ss:$0x1], $0xffff;
	[tilespmem:s31+$0x30] =	vst v56  }
0x50: {  	v62 =	vld.idx.msk [tilespmem:v0+s23+$0x10 ss:$0x1], $0xffff;
	[tilespmem:s31+$0xFFFFFFC0] =	vst v57  }
0x51: {  	v63 =	vld.idx.msk [tilespmem:v0+s23+$0x20 ss:$0x1], $0xffff;
	[tilespmem:s31+$0xFFFFFFD0] =	vst v58  }
.Ltmp4:
0x52: {  	[tilespmem:s31+$0xFFFFFFE0] =	vst v59;
	(pc) =	sbr.rel @p0 .LBB1_3-.Ltmp4, $4  }
0x53: {  	[tilespmem:s31+$0xFFFFFFF0] =	vst v60  }
0x54: {  	[tilespmem:s31+$0x0] =	vst v61  }
0x55: {  	[tilespmem:s31+$0x10] =	vst v62  }
0x56: {  	p1 =	por $0x0, $0x0;
	s22 =	simm.s32 $0x1;
	[tilespmem:s31+$0x20] =	vst v63  }
0x57: {  	s20 =	sshrl.u32 s18, $0x3  }
0x58: {  	s21 =	sshll.u32 s17, $0x3;
	s20 =	smul.u32 $0xC00, s20  }
0x59: {  	s27 =	sshll.u32 s18, $0x7;
	s21 =	sand.u32 $0xFFFFFC00, s21  }
0x5a: {  	s18 =	sand.u32 $0x380, s27;
	s20 =	sadd.s32 s20, s21  }
0x5b: {  	s28 =	sand.u32 $0x7F, s17;
	s18 =	sor.u32 s18, s20  }
0x5c: {  	s17 =	sor.u32 s28, s18;
	s18 =	smulhi.u32 $0xAAAAAAAB, s18;
	_ =	sdelay $0x1  }
0x5d: {  	s16 =	smul.u32 $0x480, s16;
	s18 =	sshrl.u32 s18, $0x8  }
0x5e: {  	s30 =	smulhi.u32 $0xAAAAAAB, s18  }
0x5f: {  	s29 =	smulhi.u32 $0xAAAAAAAB, s17  }
0x60: {  	s21 =	smul.u32 $0x18, s30  }
0x61: {  	s15 =	smul.u32 $0x6C00, s15;
	s20 =	sshrl.u32 s29, $0x8  }
0x62: {  	s20 =	smul.u32 $0x180, s20;
	s18 =	ssub.s32 s18, s21  }
0x63: {  	s18 =	smul.u32 $0x30, s18  }
.Ltmp5:
0x64: {  	s16 =	sadd.s32 s3, s16;
	s17 =	ssub.s32 s17, s20;
	(pc) =	sbr.rel .LBB1_7-.Ltmp5, $4  }
0x65: {  	s15 =	sadd.s32 s15, s16;
	s31 =	sand.u32 $0x7, s17  }
0x66: {  	s17 =	sshrl.u32 s17, $0x3;
	s16 =	sshll.u32 s31, $0x12;
	s15 =	sadd.s32 s18, s15  }
0x67: {  	s16 =	sor.u32 $0x100, s16;
	s15 =	sadd.s32 s17, s15  }
0x68: {  	[hbm4b:s15+s16] =	stream.strided.scatter [tilespmem:s19], [sflag:$0x2], $0x4000, s8, s16, $0x38;
	[tilespmem:$0x10000] =	vst v63  }
.LBB1_8:
0x69: {  	_ =	sfence.sel $0x180000  }
0x6a: {  	s2 =	simm.s32 $0x1;
	[bflag:$0x0] =	sbarrier.arrive $0xFFFF  }
0x6b: {  	s31 =	simm.s32 $0x2;
	[sflag:s2] =	ssyncpa.u1 $0x1  }
0x6c: {  	[sflag:s31] =	ssyncpa.u1 $0x1  }
0x6d: {  	p0 =	sne.s32 s0, $0x0;
	_ =	strace $0x90000056  }
0x6e: {  	s0 =	sadd.s32 @!p0 $0x100000, s1;
	[bflag:$0x2] =	sbarrier.arrive $0xFFFF  }
0x6f: {  	[sflag:s0] =	ssyncadd.tile.s32 @!p0 $0x1;
	_ =	shalt  }
.Lfunc_end1:
_tile_overlayer_lowered:
.L_overlay_start_2:
0x70: {  	(tag) =	ssettag $0x2  }
0x71: {  	s0 =	rddreg [dreg:$0x0];
	s2 =	stileid.u32  }
0x72: {  	s1 =	rddreg [dreg:$0x1];
	p0 =	sne.s32 s2, $0x0  }
0x73: {  	s3 =	rddreg [dreg:$0x2];
	[bflag:$0x3] =	sbarrier.arrive $0xFFFF;
	s2 =	simm.s32 @!p0 $0x1C01  }
0x74: {  	[timem:s3], [sflag:s2] =	dma.local @!p0 [hbm:s0], s1  }
0x75: {  	s0 =	simm.s32 @!p0 $0x1  }
0x76: {  	_ =	swait.ge @!p0 [sflag:s0], s1  }
0x77: {  	s1 =	ssub.s32 @!p0 $0x0, s1;
	[sflag:s0] =	ssyncset.done @!p0 $0x0  }
0x78: {  	[sflag:s0] =	ssyncadd.s32 @!p0 s1  }
0x79: {  	[bflag:$0x3] =	sbarrier.arrive $0xFFFF  }
0x7a: {  	_ =	shalt  }

</sc_bundles>
